<compile_context>
chip_gen: v7x
topology: tpu7x:2x2x1
jax: 0.10.2.dev20260603
libtpu: 0.0.44.dev20260713+nightly
codegen_flags: <defaults>
</compile_context>

<pallas_src>
import functools

import jax
import jax.numpy as jnp
from jax import lax
from jax.experimental import pallas as pl
from jax.experimental.pallas import tpu as pltpu
from jax.experimental.pallas import tpu_sc as plsc

NC = 2
NS = 16
NW = NC * NS
L = 16
CHUNK = 128

N_NODES = 10000
N_PAD = 10112
RPT = N_PAD // NS
CORE0_FRAC = 0.63


def _sc_mesh():
    return plsc.VectorSubcoreMesh(core_axis_name="c", subcore_axis_name="s")


def _make_deg_kernel(kt, k0, k1):

    @functools.partial(
        pl.kernel,
        mesh=_sc_mesh(),
        out_type=jax.ShapeDtypeStruct((NW, N_PAD), jnp.float32),
        compiler_params=pltpu.CompilerParams(needs_layout_passes=False),
        scratch_types=[
            pltpu.VMEM((kt, CHUNK), jnp.int32),
            pltpu.VMEM((N_PAD,), jnp.float32),
        ],
    )
    def deg_kernel(dst_hbm, out_hbm, dst_v, deg_v):
        c = lax.axis_index("c")
        s = lax.axis_index("s")
        wid = c * NS + s
        pltpu.sync_copy(dst_hbm.at[wid], dst_v)

        zero = jnp.zeros((L,), jnp.float32)

        def zbody(i, carry):
            deg_v[pl.ds(i * L, L)] = zero
            return carry

        lax.fori_loop(0, N_PAD // L, zbody, 0)

        ones = jnp.ones((L,), jnp.float32)
        groups = CHUNK // L

        def body(i, carry):
            j = i // groups
            k = i % groups
            idx = dst_v[j, pl.ds(k * L, L)]
            plsc.addupdate_scatter(deg_v, [idx], ones)
            return carry

        kc = jnp.where(c == 0, k0, k1)
        lax.fori_loop(0, kc * groups, body, 0)
        pltpu.sync_copy(deg_v, out_hbm.at[wid])

    return deg_kernel


NBUF = 2
PAD_CHUNKS = NBUF


def _make_scatter_kernel(k0, k1, d):
    kt = max(k0, k1) + PAD_CHUNKS

    @functools.partial(
        pl.kernel,
        mesh=_sc_mesh(),
        out_type=jax.ShapeDtypeStruct((NC, N_PAD, d), jnp.float32),
        compiler_params=pltpu.CompilerParams(needs_layout_passes=False,
                                             use_tc_tiling_on_sc=False),
        scratch_types=[
            pltpu.VMEM((kt, CHUNK), jnp.int32),
            pltpu.VMEM((kt, CHUNK), jnp.int32),
            pltpu.VMEM((NBUF, CHUNK, d), jnp.float32),
            pltpu.VMEM_SHARED((N_PAD, d), jnp.float32),
        ] + [pltpu.SemaphoreType.DMA] * NBUF,
    )
    def sc_kernel(g_hbm, src_hbm, dst_hbm, zero_hbm, out_hbm,
                  src_v, dst_v, rows_v, acc_sh, *gsem):
        c = lax.axis_index("c")
        s = lax.axis_index("s")
        wid = c * NS + s
        row0 = s * RPT

        pltpu.sync_copy(zero_hbm.at[pl.ds(row0, RPT)],
                        acc_sh.at[pl.ds(row0, RPT)])
        pltpu.sync_copy(src_hbm.at[wid], src_v)
        pltpu.sync_copy(dst_hbm.at[wid], dst_v)
        plsc.subcore_barrier()

        for b in range(NBUF):
            pltpu.async_copy(g_hbm.at[src_v.at[b]], rows_v.at[b], gsem[b],
                             priority=1)

        def body(i, carry):
            j0 = NBUF * i
            for b in range(NBUF):
                jb = j0 + b
                pltpu.make_async_copy(g_hbm.at[src_v.at[jb]], rows_v.at[b],
                                      gsem[b]).wait()
                pltpu.sync_copy(rows_v.at[b], acc_sh.at[dst_v.at[jb]],
                                add=True)
                pltpu.async_copy(g_hbm.at[src_v.at[jb + NBUF]], rows_v.at[b],
                                 gsem[b], priority=1)
            return carry

        n_rounds = jnp.where(c == 0, k0 // NBUF, k1 // NBUF)
        lax.fori_loop(0, n_rounds, body, 0)
        for b in range(NBUF):
            pltpu.make_async_copy(g_hbm.at[src_v.at[b]], rows_v.at[b],
                                  gsem[b]).wait()

        plsc.subcore_barrier()
        pltpu.sync_copy(acc_sh.at[pl.ds(row0, RPT)],
                        out_hbm.at[c, pl.ds(row0, RPT)])

    return sc_kernel


RB = 1024
GRID = -(-N_NODES // RB)


def _tc_encode1(deg_parts, x, w1):

    def body(dp_ref, x_ref, w_ref, g_ref, dis_ref):
        deg = jnp.sum(dp_ref[...], axis=0) + 1.0
        dis = lax.rsqrt(deg)[:, None]
        h = jnp.dot(x_ref[...], w_ref[...],
                    preferred_element_type=jnp.float32)
        g_ref[...] = dis * h
        dis_ref[...] = dis

    return pl.pallas_call(
        body,
        grid=(GRID,),
        in_specs=[
            pl.BlockSpec((NW, RB), lambda i: (0, i)),
            pl.BlockSpec((RB, 128), lambda i: (i, 0)),
            pl.BlockSpec((128, 64), lambda i: (0, 0)),
        ],
        out_specs=[
            pl.BlockSpec((RB, 64), lambda i: (i, 0)),
            pl.BlockSpec((RB, 1), lambda i: (i, 0)),
        ],
        out_shape=[
            jax.ShapeDtypeStruct((N_NODES, 64), jnp.float32),
            jax.ShapeDtypeStruct((N_NODES, 1), jnp.float32),
        ],
    )(deg_parts, x, w1)


def _tc_encode2(disv, acc1, g1, b1, w2):

    def body(dis_ref, acc_ref, g1_ref, b_ref, w_ref, out_ref):
        dis = dis_ref[...]
        ssum = acc_ref[0] + acc_ref[1] + g1_ref[...]
        h1 = jnp.maximum(dis * ssum + b_ref[...], 0.0)
        h2 = jnp.dot(h1, w_ref[...], preferred_element_type=jnp.float32)
        out_ref[...] = dis * h2

    return pl.pallas_call(
        body,
        grid=(GRID,),
        in_specs=[
            pl.BlockSpec((RB, 1), lambda i: (i, 0)),
            pl.BlockSpec((NC, RB, 64), lambda i: (0, i, 0)),
            pl.BlockSpec((RB, 64), lambda i: (i, 0)),
            pl.BlockSpec((1, 64), lambda i: (0, 0)),
            pl.BlockSpec((64, 32), lambda i: (0, 0)),
        ],
        out_specs=pl.BlockSpec((RB, 32), lambda i: (i, 0)),
        out_shape=jax.ShapeDtypeStruct((N_NODES, 32), jnp.float32),
    )(disv, acc1, g1, b1, w2)


def _tc_decode(disv, acc2, g2, b2, wd1, bd1, wd2, bd2):

    def body(dis_ref, acc_ref, g2_ref, b2_ref, wd1_ref, bd1_ref, wd2_ref,
             bd2_ref, out_ref):
        dis = dis_ref[...]
        ssum = acc_ref[0] + acc_ref[1] + g2_ref[...]
        z = jnp.maximum(dis * ssum + b2_ref[...], 0.0)
        dlat = jnp.dot(z, wd1_ref[...], preferred_element_type=jnp.float32)
        dlat = jnp.maximum(dlat + bd1_ref[...], 0.0)
        logits = jnp.dot(dlat, wd2_ref[...],
                         preferred_element_type=jnp.float32)
        out_ref[...] = jax.nn.sigmoid(logits + bd2_ref[...])

    return pl.pallas_call(
        body,
        grid=(GRID,),
        in_specs=[
            pl.BlockSpec((RB, 1), lambda i: (i, 0)),
            pl.BlockSpec((NC, RB, 32), lambda i: (0, i, 0)),
            pl.BlockSpec((RB, 32), lambda i: (i, 0)),
            pl.BlockSpec((1, 32), lambda i: (0, 0)),
            pl.BlockSpec((32, 64), lambda i: (0, 0)),
            pl.BlockSpec((1, 64), lambda i: (0, 0)),
            pl.BlockSpec((64, 128), lambda i: (0, 0)),
            pl.BlockSpec((1, 128), lambda i: (0, 0)),
        ],
        out_specs=pl.BlockSpec((RB, 128), lambda i: (i, 0)),
        out_shape=jax.ShapeDtypeStruct((N_NODES, 128), jnp.float32),
    )(disv, acc2, g2, b2, wd1, bd1, wd2, bd2)


def kernel(x, edge_index, W1, b1, W2, b2, Wd1, bd1, Wd2, bd2):
    e = edge_index.shape[1]
    src = edge_index[0].astype(jnp.int32)
    dst = edge_index[1].astype(jnp.int32)

    chunks_tot = -(-e // CHUNK)
    k0 = int(round(chunks_tot * CORE0_FRAC / NS))
    k0 = max(NBUF, -(-k0 // NBUF) * NBUF)
    k1 = -(-(chunks_tot - NS * k0) // (NS * NBUF)) * NBUF
    k1 = max(NBUF, k1)
    kt = max(k0, k1) + PAD_CHUNKS

    cap0 = NS * k0 * CHUNK
    cap_tot = NS * (k0 + k1) * CHUNK
    src_f = jnp.concatenate([src, jnp.zeros((cap_tot - e,), jnp.int32)])
    dst_f = jnp.concatenate([dst, jnp.full((cap_tot - e,), N_NODES,
                                           jnp.int32)])

    def shard(flat, kc, fill):
        m = flat.reshape(NS, kc, CHUNK)
        padc = jnp.full((NS, kt - kc, CHUNK), fill, jnp.int32)
        return jnp.concatenate([m, padc], axis=1)

    src_all = jnp.concatenate([shard(src_f[:cap0], k0, 0),
                               shard(src_f[cap0:], k1, 0)], axis=0)
    dst_all = jnp.concatenate([shard(dst_f[:cap0], k0, N_NODES),
                               shard(dst_f[cap0:], k1, N_NODES)], axis=0)

    deg_parts = _make_deg_kernel(kt, k0, k1)(dst_all)

    g1, disv = _tc_encode1(deg_parts, x, W1)

    zeros64 = jnp.zeros((N_PAD, 64), jnp.float32)
    acc1 = _make_scatter_kernel(k0, k1, 64)(g1, src_all, dst_all, zeros64)

    g2 = _tc_encode2(disv, acc1[:, :N_NODES, :], g1, b1.reshape(1, 64), W2)

    zeros32 = jnp.zeros((N_PAD, 32), jnp.float32)
    acc2 = _make_scatter_kernel(k0, k1, 32)(g2, src_all, dst_all, zeros32)

    return _tc_decode(disv, acc2[:, :N_NODES, :], g2, b2.reshape(1, 32),
                      Wd1, bd1.reshape(1, 64), Wd2, bd2.reshape(1, 128))

# --- scband reference (transcript-rebuilt; emitter-appended) ---
"""Pipeline reference for scband-gcnauto-encoder-31370441130067 (READ-ONLY COPY).

The authoritative reference and input builder live on the scoring server;
editing this copy changes nothing except your own understanding.
"""

import jax, jax.numpy as jnp
import numpy as np

N = 10000
E = 640000
D_IN = 128
D_HID = 64
D_LAT = 32


def _glorot(key, shape):
    fan_in, fan_out = shape[0], shape[1]
    lim = float(np.sqrt(6.0 / (fan_in + fan_out)))
    return jax.random.uniform(key, shape, dtype=jnp.float32, minval=-lim, maxval=lim)


def setup_inputs(seed: int = 0) -> dict:
    key = jax.random.key(seed)
    ks = jax.random.split(key, 10)
    x = jax.random.normal(ks[0], (N, D_IN), dtype=jnp.float32)
    edge_index = jax.random.randint(ks[1], (2, E), 0, N, dtype=jnp.int64)
    W1 = _glorot(ks[2], (D_IN, D_HID))
    b1 = jnp.zeros((D_HID,), dtype=jnp.float32)
    W2 = _glorot(ks[3], (D_HID, D_LAT))
    b2 = jnp.zeros((D_LAT,), dtype=jnp.float32)
    Wd1 = _glorot(ks[4], (D_LAT, D_HID))
    bd1 = jnp.zeros((D_HID,), dtype=jnp.float32)
    Wd2 = _glorot(ks[5], (D_HID, D_IN))
    bd2 = jnp.zeros((D_IN,), dtype=jnp.float32)
    return {"x": x, "edge_index": edge_index, "W1": W1, "b1": b1, "W2": W2, "b2": b2, "Wd1": Wd1, "bd1": bd1, "Wd2": Wd2, "bd2": bd2}


def gcn_conv(x, edge_index, W, b):
    # PyG GCNConv: linear (no bias) -> add self loops -> sym norm -> scatter-add -> + bias
    n = x.shape[0]
    loop = jnp.arange(n, dtype=edge_index.dtype)
    src = jnp.concatenate([edge_index[0], loop])
    dst = jnp.concatenate([edge_index[1], loop])
    w = jnp.ones(src.shape[0], dtype=x.dtype)
    deg = jnp.zeros((n,), dtype=x.dtype).at[dst].add(w)
    dis = jnp.where(deg > 0, jax.lax.rsqrt(jnp.maximum(deg, 1e-12)), 0.0)
    norm = dis[src] * dis[dst]
    h = x @ W
    msg = norm[:, None] * jnp.take(h, src, axis=0)
    out = jnp.zeros((n, W.shape[1]), dtype=x.dtype).at[dst].add(msg)
    return out + b


def reference(x, edge_index, W1, b1, W2, b2, Wd1, bd1, Wd2, bd2):
    h = jax.nn.relu(gcn_conv(x, edge_index, W1, b1))
    z = jax.nn.relu(gcn_conv(h, edge_index, W2, b2))
    d = jax.nn.relu(z @ Wd1 + bd1)
    x_hat = jax.nn.sigmoid(d @ Wd2 + bd2)
    return x_hat

if __name__ == "__main__":
    import jax
    _d = setup_inputs()
    print(jax.jit(kernel)(*tuple(_d.values())))

</pallas_src>

<mosaic_0001>
#map = affine_map<(d0, d1) -> (0, 0)>
#map1 = affine_map<(d0, d1) -> (0, 0, 0)>
module attributes {stable_mosaic.version = 14 : i64} {
  func.func @sc_kernel(%arg0: i32, %arg1: i32, %arg2: memref<10000x32xf32, #tpu.memory_space<hbm>>, %arg3: memref<32x200x128xi32, #tpu.memory_space<hbm>>, %arg4: memref<32x200x128xi32, #tpu.memory_space<hbm>>, %arg5: memref<10112x32xf32, #tpu.memory_space<hbm>>, %arg6: memref<2x10112x32xf32, #tpu.memory_space<hbm>>, %arg7: memref<200x128xi32, #tpu.memory_space<vmem>>, %arg8: memref<200x128xi32, #tpu.memory_space<vmem>>, %arg9: memref<2x128x32xf32, #tpu.memory_space<vmem>>, %arg10: memref<10112x32xf32, #tpu.memory_space<vmem_shared>>, %arg11: memref<!tpu.dma_semaphore, #tpu.memory_space<semaphore_mem>>, %arg12: memref<!tpu.dma_semaphore, #tpu.memory_space<semaphore_mem>>) attributes {dimension_semantics = [#tpu.dimension_semantics<core_parallel>, #tpu.dimension_semantics<subcore_parallel>], iteration_bounds = array<i64: 2, 16>, scalar_prefetch = 0 : i64, scratch_operands = 6 : i64, tpu.core_type = #tpu.core_type<sc_vector_subcore>, window_params = [{transform_indices = #map}, {transform_indices = #map1}, {transform_indices = #map1}, {transform_indices = #map}, {transform_indices = #map1}]} {
    %mul3A = arith.constant 16 : i32
    %mul3A_0 = arith.muli %arg0, %mul3A : i32
    %add3A = arith.addi %mul3A_0, %arg1 : i32
    %mul3A_1 = arith.constant 632 : i32
    %mul3A_2 = arith.muli %arg1, %mul3A_1 : i32
    "tpu.region"() ({
      %run_scoped3A = tpu.sem_alloc : memref<!tpu.dma_semaphore, #tpu.memory_space<semaphore_mem>>
      %dma_start3A_61 = arith.constant 0 : i32
      %dma_start3A_62 = tpu.memref_slice %arg10[%mul3A_2, %dma_start3A_61] : memref<10112x32xf32, #tpu.memory_space<vmem_shared>> -> memref<632x32xf32, #tpu.memory_space<vmem_shared>>
      %dma_start3A_63 = arith.constant 0 : i32
      %dma_start3A_64 = tpu.memref_slice %arg5[%mul3A_2, %dma_start3A_63] : memref<10112x32xf32, #tpu.memory_space<hbm>> -> memref<632x32xf32, #tpu.memory_space<hbm>>
      tpu.enqueue_dma source(%dma_start3A_64 : memref<632x32xf32, #tpu.memory_space<hbm>>) target(%dma_start3A_62 : memref<632x32xf32, #tpu.memory_space<vmem_shared>>) target_semaphore(%run_scoped3A : memref<!tpu.dma_semaphore, #tpu.memory_space<semaphore_mem>>)
      %dma_wait3A_65 = arith.constant 0 : i32
      %dma_wait3A_66 = tpu.memref_slice %arg10[%mul3A_2, %dma_wait3A_65] : memref<10112x32xf32, #tpu.memory_space<vmem_shared>> -> memref<632x32xf32, #tpu.memory_space<vmem_shared>>
      %dma_wait3A_67 = arith.constant 0 : i32
      %dma_wait3A_68 = tpu.memref_slice %arg5[%mul3A_2, %dma_wait3A_67] : memref<10112x32xf32, #tpu.memory_space<hbm>> -> memref<632x32xf32, #tpu.memory_space<hbm>>
      tpu.wait_dma2 semaphore(%run_scoped3A : memref<!tpu.dma_semaphore, #tpu.memory_space<semaphore_mem>>) src(%dma_wait3A_68 : memref<632x32xf32, #tpu.memory_space<hbm>>) dst(%dma_wait3A_66 : memref<632x32xf32, #tpu.memory_space<vmem_shared>>)
      tpu.yield
    }) : () -> ()
    "tpu.region"() ({
      %run_scoped3A = tpu.sem_alloc : memref<!tpu.dma_semaphore, #tpu.memory_space<semaphore_mem>>
      %dma_start3A_61 = arith.constant 0 : i32
      %dma_start3A_62 = arith.constant 0 : i32
      %dma_start3A_63 = tpu.memref_slice %arg3[%add3A, %dma_start3A_61, %dma_start3A_62] : memref<32x200x128xi32, #tpu.memory_space<hbm>> -> memref<1x200x128xi32, #tpu.memory_space<hbm>>
      %dma_start3A_64 = tpu.memref_squeeze %dma_start3A_63 : memref<1x200x128xi32, #tpu.memory_space<hbm>> -> memref<200x128xi32, #tpu.memory_space<hbm>>
      %dma_start3A_65 = arith.constant 0 : i32
      %dma_start3A_66 = arith.constant 0 : i32
      %dma_start3A_67 = tpu.memref_slice %arg3[%add3A, %dma_start3A_65, %dma_start3A_66] : memref<32x200x128xi32, #tpu.memory_space<hbm>> -> memref<1x200x128xi32, #tpu.memory_space<hbm>>
      %dma_start3A_68 = tpu.memref_squeeze %dma_start3A_67 : memref<1x200x128xi32, #tpu.memory_space<hbm>> -> memref<200x128xi32, #tpu.memory_space<hbm>>
      tpu.enqueue_dma source(%dma_start3A_68 : memref<200x128xi32, #tpu.memory_space<hbm>>) target(%arg7 : memref<200x128xi32, #tpu.memory_space<vmem>>) target_semaphore(%run_scoped3A : memref<!tpu.dma_semaphore, #tpu.memory_space<semaphore_mem>>)
      %dma_wait3A_69 = arith.constant 0 : i32
      %dma_wait3A_70 = arith.constant 0 : i32
      %dma_wait3A_71 = tpu.memref_slice %arg3[%add3A, %dma_wait3A_69, %dma_wait3A_70] : memref<32x200x128xi32, #tpu.memory_space<hbm>> -> memref<1x200x128xi32, #tpu.memory_space<hbm>>
      %dma_wait3A_72 = tpu.memref_squeeze %dma_wait3A_71 : memref<1x200x128xi32, #tpu.memory_space<hbm>> -> memref<200x128xi32, #tpu.memory_space<hbm>>
      %dma_wait3A_73 = arith.constant 0 : i32
      %dma_wait3A_74 = arith.constant 0 : i32
      %dma_wait3A_75 = tpu.memref_slice %arg3[%add3A, %dma_wait3A_73, %dma_wait3A_74] : memref<32x200x128xi32, #tpu.memory_space<hbm>> -> memref<1x200x128xi32, #tpu.memory_space<hbm>>
      %dma_wait3A_76 = tpu.memref_squeeze %dma_wait3A_75 : memref<1x200x128xi32, #tpu.memory_space<hbm>> -> memref<200x128xi32, #tpu.memory_space<hbm>>
      tpu.wait_dma2 semaphore(%run_scoped3A : memref<!tpu.dma_semaphore, #tpu.memory_space<semaphore_mem>>) src(%dma_wait3A_76 : memref<200x128xi32, #tpu.memory_space<hbm>>) dst(%arg7 : memref<200x128xi32, #tpu.memory_space<vmem>>)
      tpu.yield
    }) : () -> ()
    "tpu.region"() ({
      %run_scoped3A = tpu.sem_alloc : memref<!tpu.dma_semaphore, #tpu.memory_space<semaphore_mem>>
      %dma_start3A_61 = arith.constant 0 : i32
      %dma_start3A_62 = arith.constant 0 : i32
      %dma_start3A_63 = tpu.memref_slice %arg4[%add3A, %dma_start3A_61, %dma_start3A_62] : memref<32x200x128xi32, #tpu.memory_space<hbm>> -> memref<1x200x128xi32, #tpu.memory_space<hbm>>
      %dma_start3A_64 = tpu.memref_squeeze %dma_start3A_63 : memref<1x200x128xi32, #tpu.memory_space<hbm>> -> memref<200x128xi32, #tpu.memory_space<hbm>>
      %dma_start3A_65 = arith.constant 0 : i32
      %dma_start3A_66 = arith.constant 0 : i32
      %dma_start3A_67 = tpu.memref_slice %arg4[%add3A, %dma_start3A_65, %dma_start3A_66] : memref<32x200x128xi32, #tpu.memory_space<hbm>> -> memref<1x200x128xi32, #tpu.memory_space<hbm>>
      %dma_start3A_68 = tpu.memref_squeeze %dma_start3A_67 : memref<1x200x128xi32, #tpu.memory_space<hbm>> -> memref<200x128xi32, #tpu.memory_space<hbm>>
      tpu.enqueue_dma source(%dma_start3A_68 : memref<200x128xi32, #tpu.memory_space<hbm>>) target(%arg8 : memref<200x128xi32, #tpu.memory_space<vmem>>) target_semaphore(%run_scoped3A : memref<!tpu.dma_semaphore, #tpu.memory_space<semaphore_mem>>)
      %dma_wait3A_69 = arith.constant 0 : i32
      %dma_wait3A_70 = arith.constant 0 : i32
      %dma_wait3A_71 = tpu.memref_slice %arg4[%add3A, %dma_wait3A_69, %dma_wait3A_70] : memref<32x200x128xi32, #tpu.memory_space<hbm>> -> memref<1x200x128xi32, #tpu.memory_space<hbm>>
      %dma_wait3A_72 = tpu.memref_squeeze %dma_wait3A_71 : memref<1x200x128xi32, #tpu.memory_space<hbm>> -> memref<200x128xi32, #tpu.memory_space<hbm>>
      %dma_wait3A_73 = arith.constant 0 : i32
      %dma_wait3A_74 = arith.constant 0 : i32
      %dma_wait3A_75 = tpu.memref_slice %arg4[%add3A, %dma_wait3A_73, %dma_wait3A_74] : memref<32x200x128xi32, #tpu.memory_space<hbm>> -> memref<1x200x128xi32, #tpu.memory_space<hbm>>
      %dma_wait3A_76 = tpu.memref_squeeze %dma_wait3A_75 : memref<1x200x128xi32, #tpu.memory_space<hbm>> -> memref<200x128xi32, #tpu.memory_space<hbm>>
      tpu.wait_dma2 semaphore(%run_scoped3A : memref<!tpu.dma_semaphore, #tpu.memory_space<semaphore_mem>>) src(%dma_wait3A_76 : memref<200x128xi32, #tpu.memory_space<hbm>>) dst(%arg8 : memref<200x128xi32, #tpu.memory_space<vmem>>)
      tpu.yield
    }) : () -> ()
    %barrier3A = arith.constant 0 : index
    tpu.barrier barrier_id(%barrier3A)
    %dma_start3A = arith.constant 0 : i32
    %dma_start3A_3 = arith.constant 0 : i32
    %dma_start3A_4 = arith.constant 0 : i32
    %dma_start3A_5 = arith.constant 0 : i32
    %dma_start3A_6 = tpu.memref_slice %arg9[%dma_start3A_3, %dma_start3A_4, %dma_start3A_5] : memref<2x128x32xf32, #tpu.memory_space<vmem>> -> memref<1x128x32xf32, #tpu.memory_space<vmem>>
    %dma_start3A_7 = tpu.memref_squeeze %dma_start3A_6 : memref<1x128x32xf32, #tpu.memory_space<vmem>> -> memref<128x32xf32, #tpu.memory_space<vmem>>
    %dma_start3A_8 = arith.constant 0 : i32
    %dma_start3A_9 = tpu.memref_slice %arg7[%dma_start3A, %dma_start3A_8] : memref<200x128xi32, #tpu.memory_space<vmem>> -> memref<1x128xi32, #tpu.memory_space<vmem>>
    %dma_start3A_10 = tpu.memref_squeeze %dma_start3A_9 : memref<1x128xi32, #tpu.memory_space<vmem>> -> memref<128xi32, #tpu.memory_space<vmem>>
    %dma_start3A_11 = arith.constant 0 : i32
    %dma_start3A_12 = arith.constant 0 : i32
    %dma_start3A_13 = tpu.memref_slice %arg2[%dma_start3A_11, %dma_start3A_12] : memref<10000x32xf32, #tpu.memory_space<hbm>> -> memref<10000x32xf32, #tpu.memory_space<hbm>>
    tpu.enqueue_indirect_dma source(%dma_start3A_13 : memref<10000x32xf32, #tpu.memory_space<hbm>>) target(%dma_start3A_7 : memref<128x32xf32, #tpu.memory_space<vmem>>) offsets(%dma_start3A_10 : memref<128xi32, #tpu.memory_space<vmem>>) semaphore(%arg11 : memref<!tpu.dma_semaphore, #tpu.memory_space<semaphore_mem>>)
    %dma_start3A_14 = arith.constant 1 : i32
    %dma_start3A_15 = arith.constant 1 : i32
    %dma_start3A_16 = arith.constant 0 : i32
    %dma_start3A_17 = arith.constant 0 : i32
    %dma_start3A_18 = tpu.memref_slice %arg9[%dma_start3A_15, %dma_start3A_16, %dma_start3A_17] : memref<2x128x32xf32, #tpu.memory_space<vmem>> -> memref<1x128x32xf32, #tpu.memory_space<vmem>>
    %dma_start3A_19 = tpu.memref_squeeze %dma_start3A_18 : memref<1x128x32xf32, #tpu.memory_space<vmem>> -> memref<128x32xf32, #tpu.memory_space<vmem>>
    %dma_start3A_20 = arith.constant 0 : i32
    %dma_start3A_21 = tpu.memref_slice %arg7[%dma_start3A_14, %dma_start3A_20] : memref<200x128xi32, #tpu.memory_space<vmem>> -> memref<1x128xi32, #tpu.memory_space<vmem>>
    %dma_start3A_22 = tpu.memref_squeeze %dma_start3A_21 : memref<1x128xi32, #tpu.memory_space<vmem>> -> memref<128xi32, #tpu.memory_space<vmem>>
    %dma_start3A_23 = arith.constant 0 : i32
    %dma_start3A_24 = arith.constant 0 : i32
    %dma_start3A_25 = tpu.memref_slice %arg2[%dma_start3A_23, %dma_start3A_24] : memref<10000x32xf32, #tpu.memory_space<hbm>> -> memref<10000x32xf32, #tpu.memory_space<hbm>>
    tpu.enqueue_indirect_dma source(%dma_start3A_25 : memref<10000x32xf32, #tpu.memory_space<hbm>>) target(%dma_start3A_19 : memref<128x32xf32, #tpu.memory_space<vmem>>) offsets(%dma_start3A_22 : memref<128xi32, #tpu.memory_space<vmem>>) semaphore(%arg12 : memref<!tpu.dma_semaphore, #tpu.memory_space<semaphore_mem>>)
    %eq3A = arith.constant 0 : i32
    %eq3A_26 = arith.cmpi eq, %arg0, %eq3A : i32
    %jit3A = arith.constant 99 : i32
    %jit3A_27 = arith.constant 58 : i32
    %select_n3A = arith.select %eq3A_26, %jit3A, %jit3A_27 : i32
    %while3A = arith.constant 0 : i32
    %while3A_28 = arith.constant 0 : i32
    %while3A_29 = arith.subi %select_n3A, %while3A_28 : i32
    %while3A_30 = arith.addi %while3A_28, %while3A_29 : i32
    %while3A_31 = arith.constant 1 : i32
    %while3A_32 = arith.divsi %while3A_29, %while3A_31 : i32
    %while3A_33 = arith.muli %while3A_32, %while3A_31 : i32
    %while3A_34 = arith.addi %while3A_28, %while3A_33 : i32
    %while3A_35 = arith.constant 1 : i32
    scf.for %while3A_61 = %while3A_28 to %while3A_34 step %while3A_35  : i32 {
      %mul3A_62 = arith.constant 2 : i32
      %mul3A_63 = arith.muli %mul3A_62, %while3A_61 : i32
      %add3A_64 = arith.constant 0 : i32
      %add3A_65 = arith.addi %mul3A_63, %add3A_64 : i32
      %dma_wait3A_66 = arith.constant 0 : i32
      %dma_wait3A_67 = arith.constant 0 : i32
      %dma_wait3A_68 = arith.constant 0 : i32
      %dma_wait3A_69 = tpu.memref_slice %arg9[%dma_wait3A_66, %dma_wait3A_67, %dma_wait3A_68] : memref<2x128x32xf32, #tpu.memory_space<vmem>> -> memref<1x128x32xf32, #tpu.memory_space<vmem>>
      %dma_wait3A_70 = tpu.memref_squeeze %dma_wait3A_69 : memref<1x128x32xf32, #tpu.memory_space<vmem>> -> memref<128x32xf32, #tpu.memory_space<vmem>>
      %dma_wait3A_71 = arith.constant 0 : i32
      %dma_wait3A_72 = tpu.memref_slice %arg7[%add3A_65, %dma_wait3A_71] : memref<200x128xi32, #tpu.memory_space<vmem>> -> memref<1x128xi32, #tpu.memory_space<vmem>>
      %dma_wait3A_73 = tpu.memref_squeeze %dma_wait3A_72 : memref<1x128xi32, #tpu.memory_space<vmem>> -> memref<128xi32, #tpu.memory_space<vmem>>
      %dma_wait3A_74 = arith.constant 0 : i32
      %dma_wait3A_75 = arith.constant 0 : i32
      %dma_wait3A_76 = tpu.memref_slice %arg2[%dma_wait3A_74, %dma_wait3A_75] : memref<10000x32xf32, #tpu.memory_space<hbm>> -> memref<10000x32xf32, #tpu.memory_space<hbm>>
      tpu.wait_indirect_dma semaphore(%arg11 : memref<!tpu.dma_semaphore, #tpu.memory_space<semaphore_mem>>) src(%dma_wait3A_76 : memref<10000x32xf32, #tpu.memory_space<hbm>>) dst(%dma_wait3A_70 : memref<128x32xf32, #tpu.memory_space<vmem>>)
      %run_scoped3A = arith.constant 0 : i32
      "tpu.region"() ({
        %run_scoped3A_117 = tpu.sem_alloc : memref<!tpu.dma_semaphore, #tpu.memory_space<semaphore_mem>>
        %dma_start3A_118 = arith.constant 0 : i32
        %dma_start3A_119 = arith.constant 0 : i32
        %dma_start3A_120 = tpu.memref_slice %arg9[%run_scoped3A, %dma_start3A_118, %dma_start3A_119] : memref<2x128x32xf32, #tpu.memory_space<vmem>> -> memref<1x128x32xf32, #tpu.memory_space<vmem>>
        %dma_start3A_121 = tpu.memref_squeeze %dma_start3A_120 : memref<1x128x32xf32, #tpu.memory_space<vmem>> -> memref<128x32xf32, #tpu.memory_space<vmem>>
        %dma_start3A_122 = arith.constant 0 : i32
        %dma_start3A_123 = tpu.memref_slice %arg8[%add3A_65, %dma_start3A_122] : memref<200x128xi32, #tpu.memory_space<vmem>> -> memref<1x128xi32, #tpu.memory_space<vmem>>
        %dma_start3A_124 = tpu.memref_squeeze %dma_start3A_123 : memref<1x128xi32, #tpu.memory_space<vmem>> -> memref<128xi32, #tpu.memory_space<vmem>>
        %dma_start3A_125 = arith.constant 0 : i32
        %dma_start3A_126 = arith.constant 0 : i32
        %dma_start3A_127 = tpu.memref_slice %arg10[%dma_start3A_125, %dma_start3A_126] : memref<10112x32xf32, #tpu.memory_space<vmem_shared>> -> memref<10112x32xf32, #tpu.memory_space<vmem_shared>>
        tpu.enqueue_indirect_dma source(%dma_start3A_121 : memref<128x32xf32, #tpu.memory_space<vmem>>) target(%dma_start3A_127 : memref<10112x32xf32, #tpu.memory_space<vmem_shared>>) offsets(%dma_start3A_124 : memref<128xi32, #tpu.memory_space<vmem>>) semaphore(%run_scoped3A_117 : memref<!tpu.dma_semaphore, #tpu.memory_space<semaphore_mem>>) {add = true}
        %dma_wait3A_128 = arith.constant 0 : i32
        %dma_wait3A_129 = arith.constant 0 : i32
        %dma_wait3A_130 = tpu.memref_slice %arg9[%run_scoped3A, %dma_wait3A_128, %dma_wait3A_129] : memref<2x128x32xf32, #tpu.memory_space<vmem>> -> memref<1x128x32xf32, #tpu.memory_space<vmem>>
        %dma_wait3A_131 = tpu.memref_squeeze %dma_wait3A_130 : memref<1x128x32xf32, #tpu.memory_space<vmem>> -> memref<128x32xf32, #tpu.memory_space<vmem>>
        %dma_wait3A_132 = arith.constant 0 : i32
        %dma_wait3A_133 = tpu.memref_slice %arg8[%add3A_65, %dma_wait3A_132] : memref<200x128xi32, #tpu.memory_space<vmem>> -> memref<1x128xi32, #tpu.memory_space<vmem>>
        %dma_wait3A_134 = tpu.memref_squeeze %dma_wait3A_133 : memref<1x128xi32, #tpu.memory_space<vmem>> -> memref<128xi32, #tpu.memory_space<vmem>>
        %dma_wait3A_135 = arith.constant 0 : i32
        %dma_wait3A_136 = arith.constant 0 : i32
        %dma_wait3A_137 = tpu.memref_slice %arg10[%dma_wait3A_135, %dma_wait3A_136] : memref<10112x32xf32, #tpu.memory_space<vmem_shared>> -> memref<10112x32xf32, #tpu.memory_space<vmem_shared>>
        tpu.wait_indirect_dma semaphore(%run_scoped3A_117 : memref<!tpu.dma_semaphore, #tpu.memory_space<semaphore_mem>>) src(%dma_wait3A_131 : memref<128x32xf32, #tpu.memory_space<vmem>>) dst(%dma_wait3A_137 : memref<10112x32xf32, #tpu.memory_space<vmem_shared>>)
        tpu.yield
      }) : () -> ()
      %add3A_77 = arith.constant 2 : i32
      %add3A_78 = arith.addi %add3A_65, %add3A_77 : i32
      %dma_start3A_79 = arith.constant 0 : i32
      %dma_start3A_80 = arith.constant 0 : i32
      %dma_start3A_81 = arith.constant 0 : i32
      %dma_start3A_82 = tpu.memref_slice %arg9[%dma_start3A_79, %dma_start3A_80, %dma_start3A_81] : memref<2x128x32xf32, #tpu.memory_space<vmem>> -> memref<1x128x32xf32, #tpu.memory_space<vmem>>
      %dma_start3A_83 = tpu.memref_squeeze %dma_start3A_82 : memref<1x128x32xf32, #tpu.memory_space<vmem>> -> memref<128x32xf32, #tpu.memory_space<vmem>>
      %dma_start3A_84 = arith.constant 0 : i32
      %dma_start3A_85 = tpu.memref_slice %arg7[%add3A_78, %dma_start3A_84] : memref<200x128xi32, #tpu.memory_space<vmem>> -> memref<1x128xi32, #tpu.memory_space<vmem>>
      %dma_start3A_86 = tpu.memref_squeeze %dma_start3A_85 : memref<1x128xi32, #tpu.memory_space<vmem>> -> memref<128xi32, #tpu.memory_space<vmem>>
      %dma_start3A_87 = arith.constant 0 : i32
      %dma_start3A_88 = arith.constant 0 : i32
      %dma_start3A_89 = tpu.memref_slice %arg2[%dma_start3A_87, %dma_start3A_88] : memref<10000x32xf32, #tpu.memory_space<hbm>> -> memref<10000x32xf32, #tpu.memory_space<hbm>>
      tpu.enqueue_indirect_dma source(%dma_start3A_89 : memref<10000x32xf32, #tpu.memory_space<hbm>>) target(%dma_start3A_83 : memref<128x32xf32, #tpu.memory_space<vmem>>) offsets(%dma_start3A_86 : memref<128xi32, #tpu.memory_space<vmem>>) semaphore(%arg11 : memref<!tpu.dma_semaphore, #tpu.memory_space<semaphore_mem>>)
      %add3A_90 = arith.constant 1 : i32
      %add3A_91 = arith.addi %mul3A_63, %add3A_90 : i32
      %dma_wait3A_92 = arith.constant 1 : i32
      %dma_wait3A_93 = arith.constant 0 : i32
      %dma_wait3A_94 = arith.constant 0 : i32
      %dma_wait3A_95 = tpu.memref_slice %arg9[%dma_wait3A_92, %dma_wait3A_93, %dma_wait3A_94] : memref<2x128x32xf32, #tpu.memory_space<vmem>> -> memref<1x128x32xf32, #tpu.memory_space<vmem>>
      %dma_wait3A_96 = tpu.memref_squeeze %dma_wait3A_95 : memref<1x128x32xf32, #tpu.memory_space<vmem>> -> memref<128x32xf32, #tpu.memory_space<vmem>>
      %dma_wait3A_97 = arith.constant 0 : i32
      %dma_wait3A_98 = tpu.memref_slice %arg7[%add3A_91, %dma_wait3A_97] : memref<200x128xi32, #tpu.memory_space<vmem>> -> memref<1x128xi32, #tpu.memory_space<vmem>>
      %dma_wait3A_99 = tpu.memref_squeeze %dma_wait3A_98 : memref<1x128xi32, #tpu.memory_space<vmem>> -> memref<128xi32, #tpu.memory_space<vmem>>
      %dma_wait3A_100 = arith.constant 0 : i32
      %dma_wait3A_101 = arith.constant 0 : i32
      %dma_wait3A_102 = tpu.memref_slice %arg2[%dma_wait3A_100, %dma_wait3A_101] : memref<10000x32xf32, #tpu.memory_space<hbm>> -> memref<10000x32xf32, #tpu.memory_space<hbm>>
      tpu.wait_indirect_dma semaphore(%arg12 : memref<!tpu.dma_semaphore, #tpu.memory_space<semaphore_mem>>) src(%dma_wait3A_102 : memref<10000x32xf32, #tpu.memory_space<hbm>>) dst(%dma_wait3A_96 : memref<128x32xf32, #tpu.memory_space<vmem>>)
      %run_scoped3A_103 = arith.constant 1 : i32
      "tpu.region"() ({
        %run_scoped3A_117 = tpu.sem_alloc : memref<!tpu.dma_semaphore, #tpu.memory_space<semaphore_mem>>
        %dma_start3A_118 = arith.constant 0 : i32
        %dma_start3A_119 = arith.constant 0 : i32
        %dma_start3A_120 = tpu.memref_slice %arg9[%run_scoped3A_103, %dma_start3A_118, %dma_start3A_119] : memref<2x128x32xf32, #tpu.memory_space<vmem>> -> memref<1x128x32xf32, #tpu.memory_space<vmem>>
        %dma_start3A_121 = tpu.memref_squeeze %dma_start3A_120 : memref<1x128x32xf32, #tpu.memory_space<vmem>> -> memref<128x32xf32, #tpu.memory_space<vmem>>
        %dma_start3A_122 = arith.constant 0 : i32
        %dma_start3A_123 = tpu.memref_slice %arg8[%add3A_91, %dma_start3A_122] : memref<200x128xi32, #tpu.memory_space<vmem>> -> memref<1x128xi32, #tpu.memory_space<vmem>>
        %dma_start3A_124 = tpu.memref_squeeze %dma_start3A_123 : memref<1x128xi32, #tpu.memory_space<vmem>> -> memref<128xi32, #tpu.memory_space<vmem>>
        %dma_start3A_125 = arith.constant 0 : i32
        %dma_start3A_126 = arith.constant 0 : i32
        %dma_start3A_127 = tpu.memref_slice %arg10[%dma_start3A_125, %dma_start3A_126] : memref<10112x32xf32, #tpu.memory_space<vmem_shared>> -> memref<10112x32xf32, #tpu.memory_space<vmem_shared>>
        tpu.enqueue_indirect_dma source(%dma_start3A_121 : memref<128x32xf32, #tpu.memory_space<vmem>>) target(%dma_start3A_127 : memref<10112x32xf32, #tpu.memory_space<vmem_shared>>) offsets(%dma_start3A_124 : memref<128xi32, #tpu.memory_space<vmem>>) semaphore(%run_scoped3A_117 : memref<!tpu.dma_semaphore, #tpu.memory_space<semaphore_mem>>) {add = true}
        %dma_wait3A_128 = arith.constant 0 : i32
        %dma_wait3A_129 = arith.constant 0 : i32
        %dma_wait3A_130 = tpu.memref_slice %arg9[%run_scoped3A_103, %dma_wait3A_128, %dma_wait3A_129] : memref<2x128x32xf32, #tpu.memory_space<vmem>> -> memref<1x128x32xf32, #tpu.memory_space<vmem>>
        %dma_wait3A_131 = tpu.memref_squeeze %dma_wait3A_130 : memref<1x128x32xf32, #tpu.memory_space<vmem>> -> memref<128x32xf32, #tpu.memory_space<vmem>>
        %dma_wait3A_132 = arith.constant 0 : i32
        %dma_wait3A_133 = tpu.memref_slice %arg8[%add3A_91, %dma_wait3A_132] : memref<200x128xi32, #tpu.memory_space<vmem>> -> memref<1x128xi32, #tpu.memory_space<vmem>>
        %dma_wait3A_134 = tpu.memref_squeeze %dma_wait3A_133 : memref<1x128xi32, #tpu.memory_space<vmem>> -> memref<128xi32, #tpu.memory_space<vmem>>
        %dma_wait3A_135 = arith.constant 0 : i32
        %dma_wait3A_136 = arith.constant 0 : i32
        %dma_wait3A_137 = tpu.memref_slice %arg10[%dma_wait3A_135, %dma_wait3A_136] : memref<10112x32xf32, #tpu.memory_space<vmem_shared>> -> memref<10112x32xf32, #tpu.memory_space<vmem_shared>>
        tpu.wait_indirect_dma semaphore(%run_scoped3A_117 : memref<!tpu.dma_semaphore, #tpu.memory_space<semaphore_mem>>) src(%dma_wait3A_131 : memref<128x32xf32, #tpu.memory_space<vmem>>) dst(%dma_wait3A_137 : memref<10112x32xf32, #tpu.memory_space<vmem_shared>>)
        tpu.yield
      }) : () -> ()
      %add3A_104 = arith.constant 2 : i32
      %add3A_105 = arith.addi %add3A_91, %add3A_104 : i32
      %dma_start3A_106 = arith.constant 1 : i32
      %dma_start3A_107 = arith.constant 0 : i32
      %dma_start3A_108 = arith.constant 0 : i32
      %dma_start3A_109 = tpu.memref_slice %arg9[%dma_start3A_106, %dma_start3A_107, %dma_start3A_108] : memref<2x128x32xf32, #tpu.memory_space<vmem>> -> memref<1x128x32xf32, #tpu.memory_space<vmem>>
      %dma_start3A_110 = tpu.memref_squeeze %dma_start3A_109 : memref<1x128x32xf32, #tpu.memory_space<vmem>> -> memref<128x32xf32, #tpu.memory_space<vmem>>
      %dma_start3A_111 = arith.constant 0 : i32
      %dma_start3A_112 = tpu.memref_slice %arg7[%add3A_105, %dma_start3A_111] : memref<200x128xi32, #tpu.memory_space<vmem>> -> memref<1x128xi32, #tpu.memory_space<vmem>>
      %dma_start3A_113 = tpu.memref_squeeze %dma_start3A_112 : memref<1x128xi32, #tpu.memory_space<vmem>> -> memref<128xi32, #tpu.memory_space<vmem>>
      %dma_start3A_114 = arith.constant 0 : i32
      %dma_start3A_115 = arith.constant 0 : i32
      %dma_start3A_116 = tpu.memref_slice %arg2[%dma_start3A_114, %dma_start3A_115] : memref<10000x32xf32, #tpu.memory_space<hbm>> -> memref<10000x32xf32, #tpu.memory_space<hbm>>
      tpu.enqueue_indirect_dma source(%dma_start3A_116 : memref<10000x32xf32, #tpu.memory_space<hbm>>) target(%dma_start3A_110 : memref<128x32xf32, #tpu.memory_space<vmem>>) offsets(%dma_start3A_113 : memref<128xi32, #tpu.memory_space<vmem>>) semaphore(%arg12 : memref<!tpu.dma_semaphore, #tpu.memory_space<semaphore_mem>>)
    }
    %while3A_36 = arith.constant 1 : i32
    scf.for %while3A_61 = %while3A_34 to %while3A_30 step %while3A_36  : i32 {
      %mul3A_62 = arith.constant 2 : i32
      %mul3A_63 = arith.muli %mul3A_62, %while3A_61 : i32
      %add3A_64 = arith.constant 0 : i32
      %add3A_65 = arith.addi %mul3A_63, %add3A_64 : i32
      %dma_wait3A_66 = arith.constant 0 : i32
      %dma_wait3A_67 = arith.constant 0 : i32
      %dma_wait3A_68 = arith.constant 0 : i32
      %dma_wait3A_69 = tpu.memref_slice %arg9[%dma_wait3A_66, %dma_wait3A_67, %dma_wait3A_68] : memref<2x128x32xf32, #tpu.memory_space<vmem>> -> memref<1x128x32xf32, #tpu.memory_space<vmem>>
      %dma_wait3A_70 = tpu.memref_squeeze %dma_wait3A_69 : memref<1x128x32xf32, #tpu.memory_space<vmem>> -> memref<128x32xf32, #tpu.memory_space<vmem>>
      %dma_wait3A_71 = arith.constant 0 : i32
      %dma_wait3A_72 = tpu.memref_slice %arg7[%add3A_65, %dma_wait3A_71] : memref<200x128xi32, #tpu.memory_space<vmem>> -> memref<1x128xi32, #tpu.memory_space<vmem>>
      %dma_wait3A_73 = tpu.memref_squeeze %dma_wait3A_72 : memref<1x128xi32, #tpu.memory_space<vmem>> -> memref<128xi32, #tpu.memory_space<vmem>>
      %dma_wait3A_74 = arith.constant 0 : i32
      %dma_wait3A_75 = arith.constant 0 : i32
      %dma_wait3A_76 = tpu.memref_slice %arg2[%dma_wait3A_74, %dma_wait3A_75] : memref<10000x32xf32, #tpu.memory_space<hbm>> -> memref<10000x32xf32, #tpu.memory_space<hbm>>
      tpu.wait_indirect_dma semaphore(%arg11 : memref<!tpu.dma_semaphore, #tpu.memory_space<semaphore_mem>>) src(%dma_wait3A_76 : memref<10000x32xf32, #tpu.memory_space<hbm>>) dst(%dma_wait3A_70 : memref<128x32xf32, #tpu.memory_space<vmem>>)
      %run_scoped3A = arith.constant 0 : i32
      "tpu.region"() ({
        %run_scoped3A_117 = tpu.sem_alloc : memref<!tpu.dma_semaphore, #tpu.memory_space<semaphore_mem>>
        %dma_start3A_118 = arith.constant 0 : i32
        %dma_start3A_119 = arith.constant 0 : i32
        %dma_start3A_120 = tpu.memref_slice %arg9[%run_scoped3A, %dma_start3A_118, %dma_start3A_119] : memref<2x128x32xf32, #tpu.memory_space<vmem>> -> memref<1x128x32xf32, #tpu.memory_space<vmem>>
        %dma_start3A_121 = tpu.memref_squeeze %dma_start3A_120 : memref<1x128x32xf32, #tpu.memory_space<vmem>> -> memref<128x32xf32, #tpu.memory_space<vmem>>
        %dma_start3A_122 = arith.constant 0 : i32
        %dma_start3A_123 = tpu.memref_slice %arg8[%add3A_65, %dma_start3A_122] : memref<200x128xi32, #tpu.memory_space<vmem>> -> memref<1x128xi32, #tpu.memory_space<vmem>>
        %dma_start3A_124 = tpu.memref_squeeze %dma_start3A_123 : memref<1x128xi32, #tpu.memory_space<vmem>> -> memref<128xi32, #tpu.memory_space<vmem>>
        %dma_start3A_125 = arith.constant 0 : i32
        %dma_start3A_126 = arith.constant 0 : i32
        %dma_start3A_127 = tpu.memref_slice %arg10[%dma_start3A_125, %dma_start3A_126] : memref<10112x32xf32, #tpu.memory_space<vmem_shared>> -> memref<10112x32xf32, #tpu.memory_space<vmem_shared>>
        tpu.enqueue_indirect_dma source(%dma_start3A_121 : memref<128x32xf32, #tpu.memory_space<vmem>>) target(%dma_start3A_127 : memref<10112x32xf32, #tpu.memory_space<vmem_shared>>) offsets(%dma_start3A_124 : memref<128xi32, #tpu.memory_space<vmem>>) semaphore(%run_scoped3A_117 : memref<!tpu.dma_semaphore, #tpu.memory_space<semaphore_mem>>) {add = true}
        %dma_wait3A_128 = arith.constant 0 : i32
        %dma_wait3A_129 = arith.constant 0 : i32
        %dma_wait3A_130 = tpu.memref_slice %arg9[%run_scoped3A, %dma_wait3A_128, %dma_wait3A_129] : memref<2x128x32xf32, #tpu.memory_space<vmem>> -> memref<1x128x32xf32, #tpu.memory_space<vmem>>
        %dma_wait3A_131 = tpu.memref_squeeze %dma_wait3A_130 : memref<1x128x32xf32, #tpu.memory_space<vmem>> -> memref<128x32xf32, #tpu.memory_space<vmem>>
        %dma_wait3A_132 = arith.constant 0 : i32
        %dma_wait3A_133 = tpu.memref_slice %arg8[%add3A_65, %dma_wait3A_132] : memref<200x128xi32, #tpu.memory_space<vmem>> -> memref<1x128xi32, #tpu.memory_space<vmem>>
        %dma_wait3A_134 = tpu.memref_squeeze %dma_wait3A_133 : memref<1x128xi32, #tpu.memory_space<vmem>> -> memref<128xi32, #tpu.memory_space<vmem>>
        %dma_wait3A_135 = arith.constant 0 : i32
        %dma_wait3A_136 = arith.constant 0 : i32
        %dma_wait3A_137 = tpu.memref_slice %arg10[%dma_wait3A_135, %dma_wait3A_136] : memref<10112x32xf32, #tpu.memory_space<vmem_shared>> -> memref<10112x32xf32, #tpu.memory_space<vmem_shared>>
        tpu.wait_indirect_dma semaphore(%run_scoped3A_117 : memref<!tpu.dma_semaphore, #tpu.memory_space<semaphore_mem>>) src(%dma_wait3A_131 : memref<128x32xf32, #tpu.memory_space<vmem>>) dst(%dma_wait3A_137 : memref<10112x32xf32, #tpu.memory_space<vmem_shared>>)
        tpu.yield
      }) : () -> ()
      %add3A_77 = arith.constant 2 : i32
      %add3A_78 = arith.addi %add3A_65, %add3A_77 : i32
      %dma_start3A_79 = arith.constant 0 : i32
      %dma_start3A_80 = arith.constant 0 : i32
      %dma_start3A_81 = arith.constant 0 : i32
      %dma_start3A_82 = tpu.memref_slice %arg9[%dma_start3A_79, %dma_start3A_80, %dma_start3A_81] : memref<2x128x32xf32, #tpu.memory_space<vmem>> -> memref<1x128x32xf32, #tpu.memory_space<vmem>>
      %dma_start3A_83 = tpu.memref_squeeze %dma_start3A_82 : memref<1x128x32xf32, #tpu.memory_space<vmem>> -> memref<128x32xf32, #tpu.memory_space<vmem>>
      %dma_start3A_84 = arith.constant 0 : i32
      %dma_start3A_85 = tpu.memref_slice %arg7[%add3A_78, %dma_start3A_84] : memref<200x128xi32, #tpu.memory_space<vmem>> -> memref<1x128xi32, #tpu.memory_space<vmem>>
      %dma_start3A_86 = tpu.memref_squeeze %dma_start3A_85 : memref<1x128xi32, #tpu.memory_space<vmem>> -> memref<128xi32, #tpu.memory_space<vmem>>
      %dma_start3A_87 = arith.constant 0 : i32
      %dma_start3A_88 = arith.constant 0 : i32
      %dma_start3A_89 = tpu.memref_slice %arg2[%dma_start3A_87, %dma_start3A_88] : memref<10000x32xf32, #tpu.memory_space<hbm>> -> memref<10000x32xf32, #tpu.memory_space<hbm>>
      tpu.enqueue_indirect_dma source(%dma_start3A_89 : memref<10000x32xf32, #tpu.memory_space<hbm>>) target(%dma_start3A_83 : memref<128x32xf32, #tpu.memory_space<vmem>>) offsets(%dma_start3A_86 : memref<128xi32, #tpu.memory_space<vmem>>) semaphore(%arg11 : memref<!tpu.dma_semaphore, #tpu.memory_space<semaphore_mem>>)
      %add3A_90 = arith.constant 1 : i32
      %add3A_91 = arith.addi %mul3A_63, %add3A_90 : i32
      %dma_wait3A_92 = arith.constant 1 : i32
      %dma_wait3A_93 = arith.constant 0 : i32
      %dma_wait3A_94 = arith.constant 0 : i32
      %dma_wait3A_95 = tpu.memref_slice %arg9[%dma_wait3A_92, %dma_wait3A_93, %dma_wait3A_94] : memref<2x128x32xf32, #tpu.memory_space<vmem>> -> memref<1x128x32xf32, #tpu.memory_space<vmem>>
      %dma_wait3A_96 = tpu.memref_squeeze %dma_wait3A_95 : memref<1x128x32xf32, #tpu.memory_space<vmem>> -> memref<128x32xf32, #tpu.memory_space<vmem>>
      %dma_wait3A_97 = arith.constant 0 : i32
      %dma_wait3A_98 = tpu.memref_slice %arg7[%add3A_91, %dma_wait3A_97] : memref<200x128xi32, #tpu.memory_space<vmem>> -> memref<1x128xi32, #tpu.memory_space<vmem>>
      %dma_wait3A_99 = tpu.memref_squeeze %dma_wait3A_98 : memref<1x128xi32, #tpu.memory_space<vmem>> -> memref<128xi32, #tpu.memory_space<vmem>>
      %dma_wait3A_100 = arith.constant 0 : i32
      %dma_wait3A_101 = arith.constant 0 : i32
      %dma_wait3A_102 = tpu.memref_slice %arg2[%dma_wait3A_100, %dma_wait3A_101] : memref<10000x32xf32, #tpu.memory_space<hbm>> -> memref<10000x32xf32, #tpu.memory_space<hbm>>
      tpu.wait_indirect_dma semaphore(%arg12 : memref<!tpu.dma_semaphore, #tpu.memory_space<semaphore_mem>>) src(%dma_wait3A_102 : memref<10000x32xf32, #tpu.memory_space<hbm>>) dst(%dma_wait3A_96 : memref<128x32xf32, #tpu.memory_space<vmem>>)
      %run_scoped3A_103 = arith.constant 1 : i32
      "tpu.region"() ({
        %run_scoped3A_117 = tpu.sem_alloc : memref<!tpu.dma_semaphore, #tpu.memory_space<semaphore_mem>>
        %dma_start3A_118 = arith.constant 0 : i32
        %dma_start3A_119 = arith.constant 0 : i32
        %dma_start3A_120 = tpu.memref_slice %arg9[%run_scoped3A_103, %dma_start3A_118, %dma_start3A_119] : memref<2x128x32xf32, #tpu.memory_space<vmem>> -> memref<1x128x32xf32, #tpu.memory_space<vmem>>
        %dma_start3A_121 = tpu.memref_squeeze %dma_start3A_120 : memref<1x128x32xf32, #tpu.memory_space<vmem>> -> memref<128x32xf32, #tpu.memory_space<vmem>>
        %dma_start3A_122 = arith.constant 0 : i32
        %dma_start3A_123 = tpu.memref_slice %arg8[%add3A_91, %dma_start3A_122] : memref<200x128xi32, #tpu.memory_space<vmem>> -> memref<1x128xi32, #tpu.memory_space<vmem>>
        %dma_start3A_124 = tpu.memref_squeeze %dma_start3A_123 : memref<1x128xi32, #tpu.memory_space<vmem>> -> memref<128xi32, #tpu.memory_space<vmem>>
        %dma_start3A_125 = arith.constant 0 : i32
        %dma_start3A_126 = arith.constant 0 : i32
        %dma_start3A_127 = tpu.memref_slice %arg10[%dma_start3A_125, %dma_start3A_126] : memref<10112x32xf32, #tpu.memory_space<vmem_shared>> -> memref<10112x32xf32, #tpu.memory_space<vmem_shared>>
        tpu.enqueue_indirect_dma source(%dma_start3A_121 : memref<128x32xf32, #tpu.memory_space<vmem>>) target(%dma_start3A_127 : memref<10112x32xf32, #tpu.memory_space<vmem_shared>>) offsets(%dma_start3A_124 : memref<128xi32, #tpu.memory_space<vmem>>) semaphore(%run_scoped3A_117 : memref<!tpu.dma_semaphore, #tpu.memory_space<semaphore_mem>>) {add = true}
        %dma_wait3A_128 = arith.constant 0 : i32
        %dma_wait3A_129 = arith.constant 0 : i32
        %dma_wait3A_130 = tpu.memref_slice %arg9[%run_scoped3A_103, %dma_wait3A_128, %dma_wait3A_129] : memref<2x128x32xf32, #tpu.memory_space<vmem>> -> memref<1x128x32xf32, #tpu.memory_space<vmem>>
        %dma_wait3A_131 = tpu.memref_squeeze %dma_wait3A_130 : memref<1x128x32xf32, #tpu.memory_space<vmem>> -> memref<128x32xf32, #tpu.memory_space<vmem>>
        %dma_wait3A_132 = arith.constant 0 : i32
        %dma_wait3A_133 = tpu.memref_slice %arg8[%add3A_91, %dma_wait3A_132] : memref<200x128xi32, #tpu.memory_space<vmem>> -> memref<1x128xi32, #tpu.memory_space<vmem>>
        %dma_wait3A_134 = tpu.memref_squeeze %dma_wait3A_133 : memref<1x128xi32, #tpu.memory_space<vmem>> -> memref<128xi32, #tpu.memory_space<vmem>>
        %dma_wait3A_135 = arith.constant 0 : i32
        %dma_wait3A_136 = arith.constant 0 : i32
        %dma_wait3A_137 = tpu.memref_slice %arg10[%dma_wait3A_135, %dma_wait3A_136] : memref<10112x32xf32, #tpu.memory_space<vmem_shared>> -> memref<10112x32xf32, #tpu.memory_space<vmem_shared>>
        tpu.wait_indirect_dma semaphore(%run_scoped3A_117 : memref<!tpu.dma_semaphore, #tpu.memory_space<semaphore_mem>>) src(%dma_wait3A_131 : memref<128x32xf32, #tpu.memory_space<vmem>>) dst(%dma_wait3A_137 : memref<10112x32xf32, #tpu.memory_space<vmem_shared>>)
        tpu.yield
      }) : () -> ()
      %add3A_104 = arith.constant 2 : i32
      %add3A_105 = arith.addi %add3A_91, %add3A_104 : i32
      %dma_start3A_106 = arith.constant 1 : i32
      %dma_start3A_107 = arith.constant 0 : i32
      %dma_start3A_108 = arith.constant 0 : i32
      %dma_start3A_109 = tpu.memref_slice %arg9[%dma_start3A_106, %dma_start3A_107, %dma_start3A_108] : memref<2x128x32xf32, #tpu.memory_space<vmem>> -> memref<1x128x32xf32, #tpu.memory_space<vmem>>
      %dma_start3A_110 = tpu.memref_squeeze %dma_start3A_109 : memref<1x128x32xf32, #tpu.memory_space<vmem>> -> memref<128x32xf32, #tpu.memory_space<vmem>>
      %dma_start3A_111 = arith.constant 0 : i32
      %dma_start3A_112 = tpu.memref_slice %arg7[%add3A_105, %dma_start3A_111] : memref<200x128xi32, #tpu.memory_space<vmem>> -> memref<1x128xi32, #tpu.memory_space<vmem>>
      %dma_start3A_113 = tpu.memref_squeeze %dma_start3A_112 : memref<1x128xi32, #tpu.memory_space<vmem>> -> memref<128xi32, #tpu.memory_space<vmem>>
      %dma_start3A_114 = arith.constant 0 : i32
      %dma_start3A_115 = arith.constant 0 : i32
      %dma_start3A_116 = tpu.memref_slice %arg2[%dma_start3A_114, %dma_start3A_115] : memref<10000x32xf32, #tpu.memory_space<hbm>> -> memref<10000x32xf32, #tpu.memory_space<hbm>>
      tpu.enqueue_indirect_dma source(%dma_start3A_116 : memref<10000x32xf32, #tpu.memory_space<hbm>>) target(%dma_start3A_110 : memref<128x32xf32, #tpu.memory_space<vmem>>) offsets(%dma_start3A_113 : memref<128xi32, #tpu.memory_space<vmem>>) semaphore(%arg12 : memref<!tpu.dma_semaphore, #tpu.memory_space<semaphore_mem>>)
    }
    %dma_wait3A = arith.constant 0 : i32
    %dma_wait3A_37 = arith.constant 0 : i32
    %dma_wait3A_38 = arith.constant 0 : i32
    %dma_wait3A_39 = arith.constant 0 : i32
    %dma_wait3A_40 = tpu.memref_slice %arg9[%dma_wait3A_37, %dma_wait3A_38, %dma_wait3A_39] : memref<2x128x32xf32, #tpu.memory_space<vmem>> -> memref<1x128x32xf32, #tpu.memory_space<vmem>>
    %dma_wait3A_41 = tpu.memref_squeeze %dma_wait3A_40 : memref<1x128x32xf32, #tpu.memory_space<vmem>> -> memref<128x32xf32, #tpu.memory_space<vmem>>
    %dma_wait3A_42 = arith.constant 0 : i32
    %dma_wait3A_43 = tpu.memref_slice %arg7[%dma_wait3A, %dma_wait3A_42] : memref<200x128xi32, #tpu.memory_space<vmem>> -> memref<1x128xi32, #tpu.memory_space<vmem>>
    %dma_wait3A_44 = tpu.memref_squeeze %dma_wait3A_43 : memref<1x128xi32, #tpu.memory_space<vmem>> -> memref<128xi32, #tpu.memory_space<vmem>>
    %dma_wait3A_45 = arith.constant 0 : i32
    %dma_wait3A_46 = arith.constant 0 : i32
    %dma_wait3A_47 = tpu.memref_slice %arg2[%dma_wait3A_45, %dma_wait3A_46] : memref<10000x32xf32, #tpu.memory_space<hbm>> -> memref<10000x32xf32, #tpu.memory_space<hbm>>
    tpu.wait_indirect_dma semaphore(%arg11 : memref<!tpu.dma_semaphore, #tpu.memory_space<semaphore_mem>>) src(%dma_wait3A_47 : memref<10000x32xf32, #tpu.memory_space<hbm>>) dst(%dma_wait3A_41 : memref<128x32xf32, #tpu.memory_space<vmem>>)
    %dma_wait3A_48 = arith.constant 1 : i32
    %dma_wait3A_49 = arith.constant 1 : i32
    %dma_wait3A_50 = arith.constant 0 : i32
    %dma_wait3A_51 = arith.constant 0 : i32
    %dma_wait3A_52 = tpu.memref_slice %arg9[%dma_wait3A_49, %dma_wait3A_50, %dma_wait3A_51] : memref<2x128x32xf32, #tpu.memory_space<vmem>> -> memref<1x128x32xf32, #tpu.memory_space<vmem>>
    %dma_wait3A_53 = tpu.memref_squeeze %dma_wait3A_52 : memref<1x128x32xf32, #tpu.memory_space<vmem>> -> memref<128x32xf32, #tpu.memory_space<vmem>>
    %dma_wait3A_54 = arith.constant 0 : i32
    %dma_wait3A_55 = tpu.memref_slice %arg7[%dma_wait3A_48, %dma_wait3A_54] : memref<200x128xi32, #tpu.memory_space<vmem>> -> memref<1x128xi32, #tpu.memory_space<vmem>>
    %dma_wait3A_56 = tpu.memref_squeeze %dma_wait3A_55 : memref<1x128xi32, #tpu.memory_space<vmem>> -> memref<128xi32, #tpu.memory_space<vmem>>
    %dma_wait3A_57 = arith.constant 0 : i32
    %dma_wait3A_58 = arith.constant 0 : i32
    %dma_wait3A_59 = tpu.memref_slice %arg2[%dma_wait3A_57, %dma_wait3A_58] : memref<10000x32xf32, #tpu.memory_space<hbm>> -> memref<10000x32xf32, #tpu.memory_space<hbm>>
    tpu.wait_indirect_dma semaphore(%arg12 : memref<!tpu.dma_semaphore, #tpu.memory_space<semaphore_mem>>) src(%dma_wait3A_59 : memref<10000x32xf32, #tpu.memory_space<hbm>>) dst(%dma_wait3A_53 : memref<128x32xf32, #tpu.memory_space<vmem>>)
    %barrier3A_60 = arith.constant 0 : index
    tpu.barrier barrier_id(%barrier3A_60)
    "tpu.region"() ({
      %run_scoped3A = tpu.sem_alloc : memref<!tpu.dma_semaphore, #tpu.memory_space<semaphore_mem>>
      %dma_start3A_61 = arith.constant 0 : i32
      %dma_start3A_62 = tpu.memref_slice %arg6[%arg0, %mul3A_2, %dma_start3A_61] : memref<2x10112x32xf32, #tpu.memory_space<hbm>> -> memref<1x632x32xf32, #tpu.memory_space<hbm>>
      %dma_start3A_63 = tpu.memref_squeeze %dma_start3A_62 : memref<1x632x32xf32, #tpu.memory_space<hbm>> -> memref<632x32xf32, #tpu.memory_space<hbm>>
      %dma_start3A_64 = arith.constant 0 : i32
      %dma_start3A_65 = tpu.memref_slice %arg10[%mul3A_2, %dma_start3A_64] : memref<10112x32xf32, #tpu.memory_space<vmem_shared>> -> memref<632x32xf32, #tpu.memory_space<vmem_shared>>
      tpu.enqueue_dma source(%dma_start3A_65 : memref<632x32xf32, #tpu.memory_space<vmem_shared>>) target(%dma_start3A_63 : memref<632x32xf32, #tpu.memory_space<hbm>>) target_semaphore(%run_scoped3A : memref<!tpu.dma_semaphore, #tpu.memory_space<semaphore_mem>>)
      %dma_wait3A_66 = arith.constant 0 : i32
      %dma_wait3A_67 = tpu.memref_slice %arg6[%arg0, %mul3A_2, %dma_wait3A_66] : memref<2x10112x32xf32, #tpu.memory_space<hbm>> -> memref<1x632x32xf32, #tpu.memory_space<hbm>>
      %dma_wait3A_68 = tpu.memref_squeeze %dma_wait3A_67 : memref<1x632x32xf32, #tpu.memory_space<hbm>> -> memref<632x32xf32, #tpu.memory_space<hbm>>
      %dma_wait3A_69 = arith.constant 0 : i32
      %dma_wait3A_70 = tpu.memref_slice %arg10[%mul3A_2, %dma_wait3A_69] : memref<10112x32xf32, #tpu.memory_space<vmem_shared>> -> memref<632x32xf32, #tpu.memory_space<vmem_shared>>
      tpu.wait_dma2 semaphore(%run_scoped3A : memref<!tpu.dma_semaphore, #tpu.memory_space<semaphore_mem>>) src(%dma_wait3A_70 : memref<632x32xf32, #tpu.memory_space<vmem_shared>>) dst(%dma_wait3A_68 : memref<632x32xf32, #tpu.memory_space<hbm>>)
      tpu.yield
    }) : () -> ()
    return
  }
}

#map = affine_map<(d0, d1) -> (0, 0)>
#map1 = affine_map<(d0, d1) -> (0, 0, 0)>
module attributes {stable_mosaic.version = 14 : i64} {
  func.func @sc_kernel(%arg0: i32, %arg1: i32, %arg2: memref<10000x64xf32, #tpu.memory_space<hbm>>, %arg3: memref<32x200x128xi32, #tpu.memory_space<hbm>>, %arg4: memref<32x200x128xi32, #tpu.memory_space<hbm>>, %arg5: memref<10112x64xf32, #tpu.memory_space<hbm>>, %arg6: memref<2x10112x64xf32, #tpu.memory_space<hbm>>, %arg7: memref<200x128xi32, #tpu.memory_space<vmem>>, %arg8: memref<200x128xi32, #tpu.memory_space<vmem>>, %arg9: memref<2x128x64xf32, #tpu.memory_space<vmem>>, %arg10: memref<10112x64xf32, #tpu.memory_space<vmem_shared>>, %arg11: memref<!tpu.dma_semaphore, #tpu.memory_space<semaphore_mem>>, %arg12: memref<!tpu.dma_semaphore, #tpu.memory_space<semaphore_mem>>) attributes {dimension_semantics = [#tpu.dimension_semantics<core_parallel>, #tpu.dimension_semantics<subcore_parallel>], iteration_bounds = array<i64: 2, 16>, scalar_prefetch = 0 : i64, scratch_operands = 6 : i64, tpu.core_type = #tpu.core_type<sc_vector_subcore>, window_params = [{transform_indices = #map}, {transform_indices = #map1}, {transform_indices = #map1}, {transform_indices = #map}, {transform_indices = #map1}]} {
    %mul3A = arith.constant 16 : i32
    %mul3A_0 = arith.muli %arg0, %mul3A : i32
    %add3A = arith.addi %mul3A_0, %arg1 : i32
    %mul3A_1 = arith.constant 632 : i32
    %mul3A_2 = arith.muli %arg1, %mul3A_1 : i32
    "tpu.region"() ({
      %run_scoped3A = tpu.sem_alloc : memref<!tpu.dma_semaphore, #tpu.memory_space<semaphore_mem>>
      %dma_start3A_61 = arith.constant 0 : i32
      %dma_start3A_62 = tpu.memref_slice %arg10[%mul3A_2, %dma_start3A_61] : memref<10112x64xf32, #tpu.memory_space<vmem_shared>> -> memref<632x64xf32, #tpu.memory_space<vmem_shared>>
      %dma_start3A_63 = arith.constant 0 : i32
      %dma_start3A_64 = tpu.memref_slice %arg5[%mul3A_2, %dma_start3A_63] : memref<10112x64xf32, #tpu.memory_space<hbm>> -> memref<632x64xf32, #tpu.memory_space<hbm>>
      tpu.enqueue_dma source(%dma_start3A_64 : memref<632x64xf32, #tpu.memory_space<hbm>>) target(%dma_start3A_62 : memref<632x64xf32, #tpu.memory_space<vmem_shared>>) target_semaphore(%run_scoped3A : memref<!tpu.dma_semaphore, #tpu.memory_space<semaphore_mem>>)
      %dma_wait3A_65 = arith.constant 0 : i32
      %dma_wait3A_66 = tpu.memref_slice %arg10[%mul3A_2, %dma_wait3A_65] : memref<10112x64xf32, #tpu.memory_space<vmem_shared>> -> memref<632x64xf32, #tpu.memory_space<vmem_shared>>
      %dma_wait3A_67 = arith.constant 0 : i32
      %dma_wait3A_68 = tpu.memref_slice %arg5[%mul3A_2, %dma_wait3A_67] : memref<10112x64xf32, #tpu.memory_space<hbm>> -> memref<632x64xf32, #tpu.memory_space<hbm>>
      tpu.wait_dma2 semaphore(%run_scoped3A : memref<!tpu.dma_semaphore, #tpu.memory_space<semaphore_mem>>) src(%dma_wait3A_68 : memref<632x64xf32, #tpu.memory_space<hbm>>) dst(%dma_wait3A_66 : memref<632x64xf32, #tpu.memory_space<vmem_shared>>)
      tpu.yield
    }) : () -> ()
    "tpu.region"() ({
      %run_scoped3A = tpu.sem_alloc : memref<!tpu.dma_semaphore, #tpu.memory_space<semaphore_mem>>
      %dma_start3A_61 = arith.constant 0 : i32
      %dma_start3A_62 = arith.constant 0 : i32
      %dma_start3A_63 = tpu.memref_slice %arg3[%add3A, %dma_start3A_61, %dma_start3A_62] : memref<32x200x128xi32, #tpu.memory_space<hbm>> -> memref<1x200x128xi32, #tpu.memory_space<hbm>>
      %dma_start3A_64 = tpu.memref_squeeze %dma_start3A_63 : memref<1x200x128xi32, #tpu.memory_space<hbm>> -> memref<200x128xi32, #tpu.memory_space<hbm>>
      %dma_start3A_65 = arith.constant 0 : i32
      %dma_start3A_66 = arith.constant 0 : i32
      %dma_start3A_67 = tpu.memref_slice %arg3[%add3A, %dma_start3A_65, %dma_start3A_66] : memref<32x200x128xi32, #tpu.memory_space<hbm>> -> memref<1x200x128xi32, #tpu.memory_space<hbm>>
      %dma_start3A_68 = tpu.memref_squeeze %dma_start3A_67 : memref<1x200x128xi32, #tpu.memory_space<hbm>> -> memref<200x128xi32, #tpu.memory_space<hbm>>
      tpu.enqueue_dma source(%dma_start3A_68 : memref<200x128xi32, #tpu.memory_space<hbm>>) target(%arg7 : memref<200x128xi32, #tpu.memory_space<vmem>>) target_semaphore(%run_scoped3A : memref<!tpu.dma_semaphore, #tpu.memory_space<semaphore_mem>>)
      %dma_wait3A_69 = arith.constant 0 : i32
      %dma_wait3A_70 = arith.constant 0 : i32
      %dma_wait3A_71 = tpu.memref_slice %arg3[%add3A, %dma_wait3A_69, %dma_wait3A_70] : memref<32x200x128xi32, #tpu.memory_space<hbm>> -> memref<1x200x128xi32, #tpu.memory_space<hbm>>
      %dma_wait3A_72 = tpu.memref_squeeze %dma_wait3A_71 : memref<1x200x128xi32, #tpu.memory_space<hbm>> -> memref<200x128xi32, #tpu.memory_space<hbm>>
      %dma_wait3A_73 = arith.constant 0 : i32
      %dma_wait3A_74 = arith.constant 0 : i32
      %dma_wait3A_75 = tpu.memref_slice %arg3[%add3A, %dma_wait3A_73, %dma_wait3A_74] : memref<32x200x128xi32, #tpu.memory_space<hbm>> -> memref<1x200x128xi32, #tpu.memory_space<hbm>>
      %dma_wait3A_76 = tpu.memref_squeeze %dma_wait3A_75 : memref<1x200x128xi32, #tpu.memory_space<hbm>> -> memref<200x128xi32, #tpu.memory_space<hbm>>
      tpu.wait_dma2 semaphore(%run_scoped3A : memref<!tpu.dma_semaphore, #tpu.memory_space<semaphore_mem>>) src(%dma_wait3A_76 : memref<200x128xi32, #tpu.memory_space<hbm>>) dst(%arg7 : memref<200x128xi32, #tpu.memory_space<vmem>>)
      tpu.yield
    }) : () -> ()
    "tpu.region"() ({
      %run_scoped3A = tpu.sem_alloc : memref<!tpu.dma_semaphore, #tpu.memory_space<semaphore_mem>>
      %dma_start3A_61 = arith.constant 0 : i32
      %dma_start3A_62 = arith.constant 0 : i32
      %dma_start3A_63 = tpu.memref_slice %arg4[%add3A, %dma_start3A_61, %dma_start3A_62] : memref<32x200x128xi32, #tpu.memory_space<hbm>> -> memref<1x200x128xi32, #tpu.memory_space<hbm>>
      %dma_start3A_64 = tpu.memref_squeeze %dma_start3A_63 : memref<1x200x128xi32, #tpu.memory_space<hbm>> -> memref<200x128xi32, #tpu.memory_space<hbm>>
      %dma_start3A_65 = arith.constant 0 : i32
      %dma_start3A_66 = arith.constant 0 : i32
      %dma_start3A_67 = tpu.memref_slice %arg4[%add3A, %dma_start3A_65, %dma_start3A_66] : memref<32x200x128xi32, #tpu.memory_space<hbm>> -> memref<1x200x128xi32, #tpu.memory_space<hbm>>
      %dma_start3A_68 = tpu.memref_squeeze %dma_start3A_67 : memref<1x200x128xi32, #tpu.memory_space<hbm>> -> memref<200x128xi32, #tpu.memory_space<hbm>>
      tpu.enqueue_dma source(%dma_start3A_68 : memref<200x128xi32, #tpu.memory_space<hbm>>) target(%arg8 : memref<200x128xi32, #tpu.memory_space<vmem>>) target_semaphore(%run_scoped3A : memref<!tpu.dma_semaphore, #tpu.memory_space<semaphore_mem>>)
      %dma_wait3A_69 = arith.constant 0 : i32
      %dma_wait3A_70 = arith.constant 0 : i32
      %dma_wait3A_71 = tpu.memref_slice %arg4[%add3A, %dma_wait3A_69, %dma_wait3A_70] : memref<32x200x128xi32, #tpu.memory_space<hbm>> -> memref<1x200x128xi32, #tpu.memory_space<hbm>>
      %dma_wait3A_72 = tpu.memref_squeeze %dma_wait3A_71 : memref<1x200x128xi32, #tpu.memory_space<hbm>> -> memref<200x128xi32, #tpu.memory_space<hbm>>
      %dma_wait3A_73 = arith.constant 0 : i32
      %dma_wait3A_74 = arith.constant 0 : i32
      %dma_wait3A_75 = tpu.memref_slice %arg4[%add3A, %dma_wait3A_73, %dma_wait3A_74] : memref<32x200x128xi32, #tpu.memory_space<hbm>> -> memref<1x200x128xi32, #tpu.memory_space<hbm>>
      %dma_wait3A_76 = tpu.memref_squeeze %dma_wait3A_75 : memref<1x200x128xi32, #tpu.memory_space<hbm>> -> memref<200x128xi32, #tpu.memory_space<hbm>>
      tpu.wait_dma2 semaphore(%run_scoped3A : memref<!tpu.dma_semaphore, #tpu.memory_space<semaphore_mem>>) src(%dma_wait3A_76 : memref<200x128xi32, #tpu.memory_space<hbm>>) dst(%arg8 : memref<200x128xi32, #tpu.memory_space<vmem>>)
      tpu.yield
    }) : () -> ()
    %barrier3A = arith.constant 0 : index
    tpu.barrier barrier_id(%barrier3A)
    %dma_start3A = arith.constant 0 : i32
    %dma_start3A_3 = arith.constant 0 : i32
    %dma_start3A_4 = arith.constant 0 : i32
    %dma_start3A_5 = arith.constant 0 : i32
    %dma_start3A_6 = tpu.memref_slice %arg9[%dma_start3A_3, %dma_start3A_4, %dma_start3A_5] : memref<2x128x64xf32, #tpu.memory_space<vmem>> -> memref<1x128x64xf32, #tpu.memory_space<vmem>>
    %dma_start3A_7 = tpu.memref_squeeze %dma_start3A_6 : memref<1x128x64xf32, #tpu.memory_space<vmem>> -> memref<128x64xf32, #tpu.memory_space<vmem>>
    %dma_start3A_8 = arith.constant 0 : i32
    %dma_start3A_9 = tpu.memref_slice %arg7[%dma_start3A, %dma_start3A_8] : memref<200x128xi32, #tpu.memory_space<vmem>> -> memref<1x128xi32, #tpu.memory_space<vmem>>
    %dma_start3A_10 = tpu.memref_squeeze %dma_start3A_9 : memref<1x128xi32, #tpu.memory_space<vmem>> -> memref<128xi32, #tpu.memory_space<vmem>>
    %dma_start3A_11 = arith.constant 0 : i32
    %dma_start3A_12 = arith.constant 0 : i32
    %dma_start3A_13 = tpu.memref_slice %arg2[%dma_start3A_11, %dma_start3A_12] : memref<10000x64xf32, #tpu.memory_space<hbm>> -> memref<10000x64xf32, #tpu.memory_space<hbm>>
    tpu.enqueue_indirect_dma source(%dma_start3A_13 : memref<10000x64xf32, #tpu.memory_space<hbm>>) target(%dma_start3A_7 : memref<128x64xf32, #tpu.memory_space<vmem>>) offsets(%dma_start3A_10 : memref<128xi32, #tpu.memory_space<vmem>>) semaphore(%arg11 : memref<!tpu.dma_semaphore, #tpu.memory_space<semaphore_mem>>)
    %dma_start3A_14 = arith.constant 1 : i32
    %dma_start3A_15 = arith.constant 1 : i32
    %dma_start3A_16 = arith.constant 0 : i32
    %dma_start3A_17 = arith.constant 0 : i32
    %dma_start3A_18 = tpu.memref_slice %arg9[%dma_start3A_15, %dma_start3A_16, %dma_start3A_17] : memref<2x128x64xf32, #tpu.memory_space<vmem>> -> memref<1x128x64xf32, #tpu.memory_space<vmem>>
    %dma_start3A_19 = tpu.memref_squeeze %dma_start3A_18 : memref<1x128x64xf32, #tpu.memory_space<vmem>> -> memref<128x64xf32, #tpu.memory_space<vmem>>
    %dma_start3A_20 = arith.constant 0 : i32
    %dma_start3A_21 = tpu.memref_slice %arg7[%dma_start3A_14, %dma_start3A_20] : memref<200x128xi32, #tpu.memory_space<vmem>> -> memref<1x128xi32, #tpu.memory_space<vmem>>
    %dma_start3A_22 = tpu.memref_squeeze %dma_start3A_21 : memref<1x128xi32, #tpu.memory_space<vmem>> -> memref<128xi32, #tpu.memory_space<vmem>>
    %dma_start3A_23 = arith.constant 0 : i32
    %dma_start3A_24 = arith.constant 0 : i32
    %dma_start3A_25 = tpu.memref_slice %arg2[%dma_start3A_23, %dma_start3A_24] : memref<10000x64xf32, #tpu.memory_space<hbm>> -> memref<10000x64xf32, #tpu.memory_space<hbm>>
    tpu.enqueue_indirect_dma source(%dma_start3A_25 : memref<10000x64xf32, #tpu.memory_space<hbm>>) target(%dma_start3A_19 : memref<128x64xf32, #tpu.memory_space<vmem>>) offsets(%dma_start3A_22 : memref<128xi32, #tpu.memory_space<vmem>>) semaphore(%arg12 : memref<!tpu.dma_semaphore, #tpu.memory_space<semaphore_mem>>)
    %eq3A = arith.constant 0 : i32
    %eq3A_26 = arith.cmpi eq, %arg0, %eq3A : i32
    %jit3A = arith.constant 99 : i32
    %jit3A_27 = arith.constant 58 : i32
    %select_n3A = arith.select %eq3A_26, %jit3A, %jit3A_27 : i32
    %while3A = arith.constant 0 : i32
    %while3A_28 = arith.constant 0 : i32
    %while3A_29 = arith.subi %select_n3A, %while3A_28 : i32
    %while3A_30 = arith.addi %while3A_28, %while3A_29 : i32
    %while3A_31 = arith.constant 1 : i32
    %while3A_32 = arith.divsi %while3A_29, %while3A_31 : i32
    %while3A_33 = arith.muli %while3A_32, %while3A_31 : i32
    %while3A_34 = arith.addi %while3A_28, %while3A_33 : i32
    %while3A_35 = arith.constant 1 : i32
    scf.for %while3A_61 = %while3A_28 to %while3A_34 step %while3A_35  : i32 {
      %mul3A_62 = arith.constant 2 : i32
      %mul3A_63 = arith.muli %mul3A_62, %while3A_61 : i32
      %add3A_64 = arith.constant 0 : i32
      %add3A_65 = arith.addi %mul3A_63, %add3A_64 : i32
      %dma_wait3A_66 = arith.constant 0 : i32
      %dma_wait3A_67 = arith.constant 0 : i32
      %dma_wait3A_68 = arith.constant 0 : i32
      %dma_wait3A_69 = tpu.memref_slice %arg9[%dma_wait3A_66, %dma_wait3A_67, %dma_wait3A_68] : memref<2x128x64xf32, #tpu.memory_space<vmem>> -> memref<1x128x64xf32, #tpu.memory_space<vmem>>
      %dma_wait3A_70 = tpu.memref_squeeze %dma_wait3A_69 : memref<1x128x64xf32, #tpu.memory_space<vmem>> -> memref<128x64xf32, #tpu.memory_space<vmem>>
      %dma_wait3A_71 = arith.constant 0 : i32
      %dma_wait3A_72 = tpu.memref_slice %arg7[%add3A_65, %dma_wait3A_71] : memref<200x128xi32, #tpu.memory_space<vmem>> -> memref<1x128xi32, #tpu.memory_space<vmem>>
      %dma_wait3A_73 = tpu.memref_squeeze %dma_wait3A_72 : memref<1x128xi32, #tpu.memory_space<vmem>> -> memref<128xi32, #tpu.memory_space<vmem>>
      %dma_wait3A_74 = arith.constant 0 : i32
      %dma_wait3A_75 = arith.constant 0 : i32
      %dma_wait3A_76 = tpu.memref_slice %arg2[%dma_wait3A_74, %dma_wait3A_75] : memref<10000x64xf32, #tpu.memory_space<hbm>> -> memref<10000x64xf32, #tpu.memory_space<hbm>>
      tpu.wait_indirect_dma semaphore(%arg11 : memref<!tpu.dma_semaphore, #tpu.memory_space<semaphore_mem>>) src(%dma_wait3A_76 : memref<10000x64xf32, #tpu.memory_space<hbm>>) dst(%dma_wait3A_70 : memref<128x64xf32, #tpu.memory_space<vmem>>)
      %run_scoped3A = arith.constant 0 : i32
      "tpu.region"() ({
        %run_scoped3A_117 = tpu.sem_alloc : memref<!tpu.dma_semaphore, #tpu.memory_space<semaphore_mem>>
        %dma_start3A_118 = arith.constant 0 : i32
        %dma_start3A_119 = arith.constant 0 : i32
        %dma_start3A_120 = tpu.memref_slice %arg9[%run_scoped3A, %dma_start3A_118, %dma_start3A_119] : memref<2x128x64xf32, #tpu.memory_space<vmem>> -> memref<1x128x64xf32, #tpu.memory_space<vmem>>
        %dma_start3A_121 = tpu.memref_squeeze %dma_start3A_120 : memref<1x128x64xf32, #tpu.memory_space<vmem>> -> memref<128x64xf32, #tpu.memory_space<vmem>>
        %dma_start3A_122 = arith.constant 0 : i32
        %dma_start3A_123 = tpu.memref_slice %arg8[%add3A_65, %dma_start3A_122] : memref<200x128xi32, #tpu.memory_space<vmem>> -> memref<1x128xi32, #tpu.memory_space<vmem>>
        %dma_start3A_124 = tpu.memref_squeeze %dma_start3A_123 : memref<1x128xi32, #tpu.memory_space<vmem>> -> memref<128xi32, #tpu.memory_space<vmem>>
        %dma_start3A_125 = arith.constant 0 : i32
        %dma_start3A_126 = arith.constant 0 : i32
        %dma_start3A_127 = tpu.memref_slice %arg10[%dma_start3A_125, %dma_start3A_126] : memref<10112x64xf32, #tpu.memory_space<vmem_shared>> -> memref<10112x64xf32, #tpu.memory_space<vmem_shared>>
        tpu.enqueue_indirect_dma source(%dma_start3A_121 : memref<128x64xf32, #tpu.memory_space<vmem>>) target(%dma_start3A_127 : memref<10112x64xf32, #tpu.memory_space<vmem_shared>>) offsets(%dma_start3A_124 : memref<128xi32, #tpu.memory_space<vmem>>) semaphore(%run_scoped3A_117 : memref<!tpu.dma_semaphore, #tpu.memory_space<semaphore_mem>>) {add = true}
        %dma_wait3A_128 = arith.constant 0 : i32
        %dma_wait3A_129 = arith.constant 0 : i32
        %dma_wait3A_130 = tpu.memref_slice %arg9[%run_scoped3A, %dma_wait3A_128, %dma_wait3A_129] : memref<2x128x64xf32, #tpu.memory_space<vmem>> -> memref<1x128x64xf32, #tpu.memory_space<vmem>>
        %dma_wait3A_131 = tpu.memref_squeeze %dma_wait3A_130 : memref<1x128x64xf32, #tpu.memory_space<vmem>> -> memref<128x64xf32, #tpu.memory_space<vmem>>
        %dma_wait3A_132 = arith.constant 0 : i32
        %dma_wait3A_133 = tpu.memref_slice %arg8[%add3A_65, %dma_wait3A_132] : memref<200x128xi32, #tpu.memory_space<vmem>> -> memref<1x128xi32, #tpu.memory_space<vmem>>
        %dma_wait3A_134 = tpu.memref_squeeze %dma_wait3A_133 : memref<1x128xi32, #tpu.memory_space<vmem>> -> memref<128xi32, #tpu.memory_space<vmem>>
        %dma_wait3A_135 = arith.constant 0 : i32
        %dma_wait3A_136 = arith.constant 0 : i32
        %dma_wait3A_137 = tpu.memref_slice %arg10[%dma_wait3A_135, %dma_wait3A_136] : memref<10112x64xf32, #tpu.memory_space<vmem_shared>> -> memref<10112x64xf32, #tpu.memory_space<vmem_shared>>
        tpu.wait_indirect_dma semaphore(%run_scoped3A_117 : memref<!tpu.dma_semaphore, #tpu.memory_space<semaphore_mem>>) src(%dma_wait3A_131 : memref<128x64xf32, #tpu.memory_space<vmem>>) dst(%dma_wait3A_137 : memref<10112x64xf32, #tpu.memory_space<vmem_shared>>)
        tpu.yield
      }) : () -> ()
      %add3A_77 = arith.constant 2 : i32
      %add3A_78 = arith.addi %add3A_65, %add3A_77 : i32
      %dma_start3A_79 = arith.constant 0 : i32
      %dma_start3A_80 = arith.constant 0 : i32
      %dma_start3A_81 = arith.constant 0 : i32
      %dma_start3A_82 = tpu.memref_slice %arg9[%dma_start3A_79, %dma_start3A_80, %dma_start3A_81] : memref<2x128x64xf32, #tpu.memory_space<vmem>> -> memref<1x128x64xf32, #tpu.memory_space<vmem>>
      %dma_start3A_83 = tpu.memref_squeeze %dma_start3A_82 : memref<1x128x64xf32, #tpu.memory_space<vmem>> -> memref<128x64xf32, #tpu.memory_space<vmem>>
      %dma_start3A_84 = arith.constant 0 : i32
      %dma_start3A_85 = tpu.memref_slice %arg7[%add3A_78, %dma_start3A_84] : memref<200x128xi32, #tpu.memory_space<vmem>> -> memref<1x128xi32, #tpu.memory_space<vmem>>
      %dma_start3A_86 = tpu.memref_squeeze %dma_start3A_85 : memref<1x128xi32, #tpu.memory_space<vmem>> -> memref<128xi32, #tpu.memory_space<vmem>>
      %dma_start3A_87 = arith.constant 0 : i32
      %dma_start3A_88 = arith.constant 0 : i32
      %dma_start3A_89 = tpu.memref_slice %arg2[%dma_start3A_87, %dma_start3A_88] : memref<10000x64xf32, #tpu.memory_space<hbm>> -> memref<10000x64xf32, #tpu.memory_space<hbm>>
      tpu.enqueue_indirect_dma source(%dma_start3A_89 : memref<10000x64xf32, #tpu.memory_space<hbm>>) target(%dma_start3A_83 : memref<128x64xf32, #tpu.memory_space<vmem>>) offsets(%dma_start3A_86 : memref<128xi32, #tpu.memory_space<vmem>>) semaphore(%arg11 : memref<!tpu.dma_semaphore, #tpu.memory_space<semaphore_mem>>)
      %add3A_90 = arith.constant 1 : i32
      %add3A_91 = arith.addi %mul3A_63, %add3A_90 : i32
      %dma_wait3A_92 = arith.constant 1 : i32
      %dma_wait3A_93 = arith.constant 0 : i32
      %dma_wait3A_94 = arith.constant 0 : i32
      %dma_wait3A_95 = tpu.memref_slice %arg9[%dma_wait3A_92, %dma_wait3A_93, %dma_wait3A_94] : memref<2x128x64xf32, #tpu.memory_space<vmem>> -> memref<1x128x64xf32, #tpu.memory_space<vmem>>
      %dma_wait3A_96 = tpu.memref_squeeze %dma_wait3A_95 : memref<1x128x64xf32, #tpu.memory_space<vmem>> -> memref<128x64xf32, #tpu.memory_space<vmem>>
      %dma_wait3A_97 = arith.constant 0 : i32
      %dma_wait3A_98 = tpu.memref_slice %arg7[%add3A_91, %dma_wait3A_97] : memref<200x128xi32, #tpu.memory_space<vmem>> -> memref<1x128xi32, #tpu.memory_space<vmem>>
      %dma_wait3A_99 = tpu.memref_squeeze %dma_wait3A_98 : memref<1x128xi32, #tpu.memory_space<vmem>> -> memref<128xi32, #tpu.memory_space<vmem>>
      %dma_wait3A_100 = arith.constant 0 : i32
      %dma_wait3A_101 = arith.constant 0 : i32
      %dma_wait3A_102 = tpu.memref_slice %arg2[%dma_wait3A_100, %dma_wait3A_101] : memref<10000x64xf32, #tpu.memory_space<hbm>> -> memref<10000x64xf32, #tpu.memory_space<hbm>>
      tpu.wait_indirect_dma semaphore(%arg12 : memref<!tpu.dma_semaphore, #tpu.memory_space<semaphore_mem>>) src(%dma_wait3A_102 : memref<10000x64xf32, #tpu.memory_space<hbm>>) dst(%dma_wait3A_96 : memref<128x64xf32, #tpu.memory_space<vmem>>)
      %run_scoped3A_103 = arith.constant 1 : i32
      "tpu.region"() ({
        %run_scoped3A_117 = tpu.sem_alloc : memref<!tpu.dma_semaphore, #tpu.memory_space<semaphore_mem>>
        %dma_start3A_118 = arith.constant 0 : i32
        %dma_start3A_119 = arith.constant 0 : i32
        %dma_start3A_120 = tpu.memref_slice %arg9[%run_scoped3A_103, %dma_start3A_118, %dma_start3A_119] : memref<2x128x64xf32, #tpu.memory_space<vmem>> -> memref<1x128x64xf32, #tpu.memory_space<vmem>>
        %dma_start3A_121 = tpu.memref_squeeze %dma_start3A_120 : memref<1x128x64xf32, #tpu.memory_space<vmem>> -> memref<128x64xf32, #tpu.memory_space<vmem>>
        %dma_start3A_122 = arith.constant 0 : i32
        %dma_start3A_123 = tpu.memref_slice %arg8[%add3A_91, %dma_start3A_122] : memref<200x128xi32, #tpu.memory_space<vmem>> -> memref<1x128xi32, #tpu.memory_space<vmem>>
        %dma_start3A_124 = tpu.memref_squeeze %dma_start3A_123 : memref<1x128xi32, #tpu.memory_space<vmem>> -> memref<128xi32, #tpu.memory_space<vmem>>
        %dma_start3A_125 = arith.constant 0 : i32
        %dma_start3A_126 = arith.constant 0 : i32
        %dma_start3A_127 = tpu.memref_slice %arg10[%dma_start3A_125, %dma_start3A_126] : memref<10112x64xf32, #tpu.memory_space<vmem_shared>> -> memref<10112x64xf32, #tpu.memory_space<vmem_shared>>
        tpu.enqueue_indirect_dma source(%dma_start3A_121 : memref<128x64xf32, #tpu.memory_space<vmem>>) target(%dma_start3A_127 : memref<10112x64xf32, #tpu.memory_space<vmem_shared>>) offsets(%dma_start3A_124 : memref<128xi32, #tpu.memory_space<vmem>>) semaphore(%run_scoped3A_117 : memref<!tpu.dma_semaphore, #tpu.memory_space<semaphore_mem>>) {add = true}
        %dma_wait3A_128 = arith.constant 0 : i32
        %dma_wait3A_129 = arith.constant 0 : i32
        %dma_wait3A_130 = tpu.memref_slice %arg9[%run_scoped3A_103, %dma_wait3A_128, %dma_wait3A_129] : memref<2x128x64xf32, #tpu.memory_space<vmem>> -> memref<1x128x64xf32, #tpu.memory_space<vmem>>
        %dma_wait3A_131 = tpu.memref_squeeze %dma_wait3A_130 : memref<1x128x64xf32, #tpu.memory_space<vmem>> -> memref<128x64xf32, #tpu.memory_space<vmem>>
        %dma_wait3A_132 = arith.constant 0 : i32
        %dma_wait3A_133 = tpu.memref_slice %arg8[%add3A_91, %dma_wait3A_132] : memref<200x128xi32, #tpu.memory_space<vmem>> -> memref<1x128xi32, #tpu.memory_space<vmem>>
        %dma_wait3A_134 = tpu.memref_squeeze %dma_wait3A_133 : memref<1x128xi32, #tpu.memory_space<vmem>> -> memref<128xi32, #tpu.memory_space<vmem>>
        %dma_wait3A_135 = arith.constant 0 : i32
        %dma_wait3A_136 = arith.constant 0 : i32
        %dma_wait3A_137 = tpu.memref_slice %arg10[%dma_wait3A_135, %dma_wait3A_136] : memref<10112x64xf32, #tpu.memory_space<vmem_shared>> -> memref<10112x64xf32, #tpu.memory_space<vmem_shared>>
        tpu.wait_indirect_dma semaphore(%run_scoped3A_117 : memref<!tpu.dma_semaphore, #tpu.memory_space<semaphore_mem>>) src(%dma_wait3A_131 : memref<128x64xf32, #tpu.memory_space<vmem>>) dst(%dma_wait3A_137 : memref<10112x64xf32, #tpu.memory_space<vmem_shared>>)
        tpu.yield
      }) : () -> ()
      %add3A_104 = arith.constant 2 : i32
      %add3A_105 = arith.addi %add3A_91, %add3A_104 : i32
      %dma_start3A_106 = arith.constant 1 : i32
      %dma_start3A_107 = arith.constant 0 : i32
      %dma_start3A_108 = arith.constant 0 : i32
      %dma_start3A_109 = tpu.memref_slice %arg9[%dma_start3A_106, %dma_start3A_107, %dma_start3A_108] : memref<2x128x64xf32, #tpu.memory_space<vmem>> -> memref<1x128x64xf32, #tpu.memory_space<vmem>>
      %dma_start3A_110 = tpu.memref_squeeze %dma_start3A_109 : memref<1x128x64xf32, #tpu.memory_space<vmem>> -> memref<128x64xf32, #tpu.memory_space<vmem>>
      %dma_start3A_111 = arith.constant 0 : i32
      %dma_start3A_112 = tpu.memref_slice %arg7[%add3A_105, %dma_start3A_111] : memref<200x128xi32, #tpu.memory_space<vmem>> -> memref<1x128xi32, #tpu.memory_space<vmem>>
      %dma_start3A_113 = tpu.memref_squeeze %dma_start3A_112 : memref<1x128xi32, #tpu.memory_space<vmem>> -> memref<128xi32, #tpu.memory_space<vmem>>
      %dma_start3A_114 = arith.constant 0 : i32
      %dma_start3A_115 = arith.constant 0 : i32
      %dma_start3A_116 = tpu.memref_slice %arg2[%dma_start3A_114, %dma_start3A_115] : memref<10000x64xf32, #tpu.memory_space<hbm>> -> memref<10000x64xf32, #tpu.memory_space<hbm>>
      tpu.enqueue_indirect_dma source(%dma_start3A_116 : memref<10000x64xf32, #tpu.memory_space<hbm>>) target(%dma_start3A_110 : memref<128x64xf32, #tpu.memory_space<vmem>>) offsets(%dma_start3A_113 : memref<128xi32, #tpu.memory_space<vmem>>) semaphore(%arg12 : memref<!tpu.dma_semaphore, #tpu.memory_space<semaphore_mem>>)
    }
    %while3A_36 = arith.constant 1 : i32
    scf.for %while3A_61 = %while3A_34 to %while3A_30 step %while3A_36  : i32 {
      %mul3A_62 = arith.constant 2 : i32
      %mul3A_63 = arith.muli %mul3A_62, %while3A_61 : i32
      %add3A_64 = arith.constant 0 : i32
      %add3A_65 = arith.addi %mul3A_63, %add3A_64 : i32
      %dma_wait3A_66 = arith.constant 0 : i32
      %dma_wait3A_67 = arith.constant 0 : i32
      %dma_wait3A_68 = arith.constant 0 : i32
      %dma_wait3A_69 = tpu.memref_slice %arg9[%dma_wait3A_66, %dma_wait3A_67, %dma_wait3A_68] : memref<2x128x64xf32, #tpu.memory_space<vmem>> -> memref<1x128x64xf32, #tpu.memory_space<vmem>>
      %dma_wait3A_70 = tpu.memref_squeeze %dma_wait3A_69 : memref<1x128x64xf32, #tpu.memory_space<vmem>> -> memref<128x64xf32, #tpu.memory_space<vmem>>
      %dma_wait3A_71 = arith.constant 0 : i32
      %dma_wait3A_72 = tpu.memref_slice %arg7[%add3A_65, %dma_wait3A_71] : memref<200x128xi32, #tpu.memory_space<vmem>> -> memref<1x128xi32, #tpu.memory_space<vmem>>
      %dma_wait3A_73 = tpu.memref_squeeze %dma_wait3A_72 : memref<1x128xi32, #tpu.memory_space<vmem>> -> memref<128xi32, #tpu.memory_space<vmem>>
      %dma_wait3A_74 = arith.constant 0 : i32
      %dma_wait3A_75 = arith.constant 0 : i32
      %dma_wait3A_76 = tpu.memref_slice %arg2[%dma_wait3A_74, %dma_wait3A_75] : memref<10000x64xf32, #tpu.memory_space<hbm>> -> memref<10000x64xf32, #tpu.memory_space<hbm>>
      tpu.wait_indirect_dma semaphore(%arg11 : memref<!tpu.dma_semaphore, #tpu.memory_space<semaphore_mem>>) src(%dma_wait3A_76 : memref<10000x64xf32, #tpu.memory_space<hbm>>) dst(%dma_wait3A_70 : memref<128x64xf32, #tpu.memory_space<vmem>>)
      %run_scoped3A = arith.constant 0 : i32
      "tpu.region"() ({
        %run_scoped3A_117 = tpu.sem_alloc : memref<!tpu.dma_semaphore, #tpu.memory_space<semaphore_mem>>
        %dma_start3A_118 = arith.constant 0 : i32
        %dma_start3A_119 = arith.constant 0 : i32
        %dma_start3A_120 = tpu.memref_slice %arg9[%run_scoped3A, %dma_start3A_118, %dma_start3A_119] : memref<2x128x64xf32, #tpu.memory_space<vmem>> -> memref<1x128x64xf32, #tpu.memory_space<vmem>>
        %dma_start3A_121 = tpu.memref_squeeze %dma_start3A_120 : memref<1x128x64xf32, #tpu.memory_space<vmem>> -> memref<128x64xf32, #tpu.memory_space<vmem>>
        %dma_start3A_122 = arith.constant 0 : i32
        %dma_start3A_123 = tpu.memref_slice %arg8[%add3A_65, %dma_start3A_122] : memref<200x128xi32, #tpu.memory_space<vmem>> -> memref<1x128xi32, #tpu.memory_space<vmem>>
        %dma_start3A_124 = tpu.memref_squeeze %dma_start3A_123 : memref<1x128xi32, #tpu.memory_space<vmem>> -> memref<128xi32, #tpu.memory_space<vmem>>
        %dma_start3A_125 = arith.constant 0 : i32
        %dma_start3A_126 = arith.constant 0 : i32
        %dma_start3A_127 = tpu.memref_slice %arg10[%dma_start3A_125, %dma_start3A_126] : memref<10112x64xf32, #tpu.memory_space<vmem_shared>> -> memref<10112x64xf32, #tpu.memory_space<vmem_shared>>
        tpu.enqueue_indirect_dma source(%dma_start3A_121 : memref<128x64xf32, #tpu.memory_space<vmem>>) target(%dma_start3A_127 : memref<10112x64xf32, #tpu.memory_space<vmem_shared>>) offsets(%dma_start3A_124 : memref<128xi32, #tpu.memory_space<vmem>>) semaphore(%run_scoped3A_117 : memref<!tpu.dma_semaphore, #tpu.memory_space<semaphore_mem>>) {add = true}
        %dma_wait3A_128 = arith.constant 0 : i32
        %dma_wait3A_129 = arith.constant 0 : i32
        %dma_wait3A_130 = tpu.memref_slice %arg9[%run_scoped3A, %dma_wait3A_128, %dma_wait3A_129] : memref<2x128x64xf32, #tpu.memory_space<vmem>> -> memref<1x128x64xf32, #tpu.memory_space<vmem>>
        %dma_wait3A_131 = tpu.memref_squeeze %dma_wait3A_130 : memref<1x128x64xf32, #tpu.memory_space<vmem>> -> memref<128x64xf32, #tpu.memory_space<vmem>>
        %dma_wait3A_132 = arith.constant 0 : i32
        %dma_wait3A_133 = tpu.memref_slice %arg8[%add3A_65, %dma_wait3A_132] : memref<200x128xi32, #tpu.memory_space<vmem>> -> memref<1x128xi32, #tpu.memory_space<vmem>>
        %dma_wait3A_134 = tpu.memref_squeeze %dma_wait3A_133 : memref<1x128xi32, #tpu.memory_space<vmem>> -> memref<128xi32, #tpu.memory_space<vmem>>
        %dma_wait3A_135 = arith.constant 0 : i32
        %dma_wait3A_136 = arith.constant 0 : i32
        %dma_wait3A_137 = tpu.memref_slice %arg10[%dma_wait3A_135, %dma_wait3A_136] : memref<10112x64xf32, #tpu.memory_space<vmem_shared>> -> memref<10112x64xf32, #tpu.memory_space<vmem_shared>>
        tpu.wait_indirect_dma semaphore(%run_scoped3A_117 : memref<!tpu.dma_semaphore, #tpu.memory_space<semaphore_mem>>) src(%dma_wait3A_131 : memref<128x64xf32, #tpu.memory_space<vmem>>) dst(%dma_wait3A_137 : memref<10112x64xf32, #tpu.memory_space<vmem_shared>>)
        tpu.yield
      }) : () -> ()
      %add3A_77 = arith.constant 2 : i32
      %add3A_78 = arith.addi %add3A_65, %add3A_77 : i32
      %dma_start3A_79 = arith.constant 0 : i32
      %dma_start3A_80 = arith.constant 0 : i32
      %dma_start3A_81 = arith.constant 0 : i32
      %dma_start3A_82 = tpu.memref_slice %arg9[%dma_start3A_79, %dma_start3A_80, %dma_start3A_81] : memref<2x128x64xf32, #tpu.memory_space<vmem>> -> memref<1x128x64xf32, #tpu.memory_space<vmem>>
      %dma_start3A_83 = tpu.memref_squeeze %dma_start3A_82 : memref<1x128x64xf32, #tpu.memory_space<vmem>> -> memref<128x64xf32, #tpu.memory_space<vmem>>
      %dma_start3A_84 = arith.constant 0 : i32
      %dma_start3A_85 = tpu.memref_slice %arg7[%add3A_78, %dma_start3A_84] : memref<200x128xi32, #tpu.memory_space<vmem>> -> memref<1x128xi32, #tpu.memory_space<vmem>>
      %dma_start3A_86 = tpu.memref_squeeze %dma_start3A_85 : memref<1x128xi32, #tpu.memory_space<vmem>> -> memref<128xi32, #tpu.memory_space<vmem>>
      %dma_start3A_87 = arith.constant 0 : i32
      %dma_start3A_88 = arith.constant 0 : i32
      %dma_start3A_89 = tpu.memref_slice %arg2[%dma_start3A_87, %dma_start3A_88] : memref<10000x64xf32, #tpu.memory_space<hbm>> -> memref<10000x64xf32, #tpu.memory_space<hbm>>
      tpu.enqueue_indirect_dma source(%dma_start3A_89 : memref<10000x64xf32, #tpu.memory_space<hbm>>) target(%dma_start3A_83 : memref<128x64xf32, #tpu.memory_space<vmem>>) offsets(%dma_start3A_86 : memref<128xi32, #tpu.memory_space<vmem>>) semaphore(%arg11 : memref<!tpu.dma_semaphore, #tpu.memory_space<semaphore_mem>>)
      %add3A_90 = arith.constant 1 : i32
      %add3A_91 = arith.addi %mul3A_63, %add3A_90 : i32
      %dma_wait3A_92 = arith.constant 1 : i32
      %dma_wait3A_93 = arith.constant 0 : i32
      %dma_wait3A_94 = arith.constant 0 : i32
      %dma_wait3A_95 = tpu.memref_slice %arg9[%dma_wait3A_92, %dma_wait3A_93, %dma_wait3A_94] : memref<2x128x64xf32, #tpu.memory_space<vmem>> -> memref<1x128x64xf32, #tpu.memory_space<vmem>>
      %dma_wait3A_96 = tpu.memref_squeeze %dma_wait3A_95 : memref<1x128x64xf32, #tpu.memory_space<vmem>> -> memref<128x64xf32, #tpu.memory_space<vmem>>
      %dma_wait3A_97 = arith.constant 0 : i32
      %dma_wait3A_98 = tpu.memref_slice %arg7[%add3A_91, %dma_wait3A_97] : memref<200x128xi32, #tpu.memory_space<vmem>> -> memref<1x128xi32, #tpu.memory_space<vmem>>
      %dma_wait3A_99 = tpu.memref_squeeze %dma_wait3A_98 : memref<1x128xi32, #tpu.memory_space<vmem>> -> memref<128xi32, #tpu.memory_space<vmem>>
      %dma_wait3A_100 = arith.constant 0 : i32
      %dma_wait3A_101 = arith.constant 0 : i32
      %dma_wait3A_102 = tpu.memref_slice %arg2[%dma_wait3A_100, %dma_wait3A_101] : memref<10000x64xf32, #tpu.memory_space<hbm>> -> memref<10000x64xf32, #tpu.memory_space<hbm>>
      tpu.wait_indirect_dma semaphore(%arg12 : memref<!tpu.dma_semaphore, #tpu.memory_space<semaphore_mem>>) src(%dma_wait3A_102 : memref<10000x64xf32, #tpu.memory_space<hbm>>) dst(%dma_wait3A_96 : memref<128x64xf32, #tpu.memory_space<vmem>>)
      %run_scoped3A_103 = arith.constant 1 : i32
      "tpu.region"() ({
        %run_scoped3A_117 = tpu.sem_alloc : memref<!tpu.dma_semaphore, #tpu.memory_space<semaphore_mem>>
        %dma_start3A_118 = arith.constant 0 : i32
        %dma_start3A_119 = arith.constant 0 : i32
        %dma_start3A_120 = tpu.memref_slice %arg9[%run_scoped3A_103, %dma_start3A_118, %dma_start3A_119] : memref<2x128x64xf32, #tpu.memory_space<vmem>> -> memref<1x128x64xf32, #tpu.memory_space<vmem>>
        %dma_start3A_121 = tpu.memref_squeeze %dma_start3A_120 : memref<1x128x64xf32, #tpu.memory_space<vmem>> -> memref<128x64xf32, #tpu.memory_space<vmem>>
        %dma_start3A_122 = arith.constant 0 : i32
        %dma_start3A_123 = tpu.memref_slice %arg8[%add3A_91, %dma_start3A_122] : memref<200x128xi32, #tpu.memory_space<vmem>> -> memref<1x128xi32, #tpu.memory_space<vmem>>
        %dma_start3A_124 = tpu.memref_squeeze %dma_start3A_123 : memref<1x128xi32, #tpu.memory_space<vmem>> -> memref<128xi32, #tpu.memory_space<vmem>>
        %dma_start3A_125 = arith.constant 0 : i32
        %dma_start3A_126 = arith.constant 0 : i32
        %dma_start3A_127 = tpu.memref_slice %arg10[%dma_start3A_125, %dma_start3A_126] : memref<10112x64xf32, #tpu.memory_space<vmem_shared>> -> memref<10112x64xf32, #tpu.memory_space<vmem_shared>>
        tpu.enqueue_indirect_dma source(%dma_start3A_121 : memref<128x64xf32, #tpu.memory_space<vmem>>) target(%dma_start3A_127 : memref<10112x64xf32, #tpu.memory_space<vmem_shared>>) offsets(%dma_start3A_124 : memref<128xi32, #tpu.memory_space<vmem>>) semaphore(%run_scoped3A_117 : memref<!tpu.dma_semaphore, #tpu.memory_space<semaphore_mem>>) {add = true}
        %dma_wait3A_128 = arith.constant 0 : i32
        %dma_wait3A_129 = arith.constant 0 : i32
        %dma_wait3A_130 = tpu.memref_slice %arg9[%run_scoped3A_103, %dma_wait3A_128, %dma_wait3A_129] : memref<2x128x64xf32, #tpu.memory_space<vmem>> -> memref<1x128x64xf32, #tpu.memory_space<vmem>>
        %dma_wait3A_131 = tpu.memref_squeeze %dma_wait3A_130 : memref<1x128x64xf32, #tpu.memory_space<vmem>> -> memref<128x64xf32, #tpu.memory_space<vmem>>
        %dma_wait3A_132 = arith.constant 0 : i32
        %dma_wait3A_133 = tpu.memref_slice %arg8[%add3A_91, %dma_wait3A_132] : memref<200x128xi32, #tpu.memory_space<vmem>> -> memref<1x128xi32, #tpu.memory_space<vmem>>
        %dma_wait3A_134 = tpu.memref_squeeze %dma_wait3A_133 : memref<1x128xi32, #tpu.memory_space<vmem>> -> memref<128xi32, #tpu.memory_space<vmem>>
        %dma_wait3A_135 = arith.constant 0 : i32
        %dma_wait3A_136 = arith.constant 0 : i32
        %dma_wait3A_137 = tpu.memref_slice %arg10[%dma_wait3A_135, %dma_wait3A_136] : memref<10112x64xf32, #tpu.memory_space<vmem_shared>> -> memref<10112x64xf32, #tpu.memory_space<vmem_shared>>
        tpu.wait_indirect_dma semaphore(%run_scoped3A_117 : memref<!tpu.dma_semaphore, #tpu.memory_space<semaphore_mem>>) src(%dma_wait3A_131 : memref<128x64xf32, #tpu.memory_space<vmem>>) dst(%dma_wait3A_137 : memref<10112x64xf32, #tpu.memory_space<vmem_shared>>)
        tpu.yield
      }) : () -> ()
      %add3A_104 = arith.constant 2 : i32
      %add3A_105 = arith.addi %add3A_91, %add3A_104 : i32
      %dma_start3A_106 = arith.constant 1 : i32
      %dma_start3A_107 = arith.constant 0 : i32
      %dma_start3A_108 = arith.constant 0 : i32
      %dma_start3A_109 = tpu.memref_slice %arg9[%dma_start3A_106, %dma_start3A_107, %dma_start3A_108] : memref<2x128x64xf32, #tpu.memory_space<vmem>> -> memref<1x128x64xf32, #tpu.memory_space<vmem>>
      %dma_start3A_110 = tpu.memref_squeeze %dma_start3A_109 : memref<1x128x64xf32, #tpu.memory_space<vmem>> -> memref<128x64xf32, #tpu.memory_space<vmem>>
      %dma_start3A_111 = arith.constant 0 : i32
      %dma_start3A_112 = tpu.memref_slice %arg7[%add3A_105, %dma_start3A_111] : memref<200x128xi32, #tpu.memory_space<vmem>> -> memref<1x128xi32, #tpu.memory_space<vmem>>
      %dma_start3A_113 = tpu.memref_squeeze %dma_start3A_112 : memref<1x128xi32, #tpu.memory_space<vmem>> -> memref<128xi32, #tpu.memory_space<vmem>>
      %dma_start3A_114 = arith.constant 0 : i32
      %dma_start3A_115 = arith.constant 0 : i32
      %dma_start3A_116 = tpu.memref_slice %arg2[%dma_start3A_114, %dma_start3A_115] : memref<10000x64xf32, #tpu.memory_space<hbm>> -> memref<10000x64xf32, #tpu.memory_space<hbm>>
      tpu.enqueue_indirect_dma source(%dma_start3A_116 : memref<10000x64xf32, #tpu.memory_space<hbm>>) target(%dma_start3A_110 : memref<128x64xf32, #tpu.memory_space<vmem>>) offsets(%dma_start3A_113 : memref<128xi32, #tpu.memory_space<vmem>>) semaphore(%arg12 : memref<!tpu.dma_semaphore, #tpu.memory_space<semaphore_mem>>)
    }
    %dma_wait3A = arith.constant 0 : i32
    %dma_wait3A_37 = arith.constant 0 : i32
    %dma_wait3A_38 = arith.constant 0 : i32
    %dma_wait3A_39 = arith.constant 0 : i32
    %dma_wait3A_40 = tpu.memref_slice %arg9[%dma_wait3A_37, %dma_wait3A_38, %dma_wait3A_39] : memref<2x128x64xf32, #tpu.memory_space<vmem>> -> memref<1x128x64xf32, #tpu.memory_space<vmem>>
    %dma_wait3A_41 = tpu.memref_squeeze %dma_wait3A_40 : memref<1x128x64xf32, #tpu.memory_space<vmem>> -> memref<128x64xf32, #tpu.memory_space<vmem>>
    %dma_wait3A_42 = arith.constant 0 : i32
    %dma_wait3A_43 = tpu.memref_slice %arg7[%dma_wait3A, %dma_wait3A_42] : memref<200x128xi32, #tpu.memory_space<vmem>> -> memref<1x128xi32, #tpu.memory_space<vmem>>
    %dma_wait3A_44 = tpu.memref_squeeze %dma_wait3A_43 : memref<1x128xi32, #tpu.memory_space<vmem>> -> memref<128xi32, #tpu.memory_space<vmem>>
    %dma_wait3A_45 = arith.constant 0 : i32
    %dma_wait3A_46 = arith.constant 0 : i32
    %dma_wait3A_47 = tpu.memref_slice %arg2[%dma_wait3A_45, %dma_wait3A_46] : memref<10000x64xf32, #tpu.memory_space<hbm>> -> memref<10000x64xf32, #tpu.memory_space<hbm>>
    tpu.wait_indirect_dma semaphore(%arg11 : memref<!tpu.dma_semaphore, #tpu.memory_space<semaphore_mem>>) src(%dma_wait3A_47 : memref<10000x64xf32, #tpu.memory_space<hbm>>) dst(%dma_wait3A_41 : memref<128x64xf32, #tpu.memory_space<vmem>>)
    %dma_wait3A_48 = arith.constant 1 : i32
    %dma_wait3A_49 = arith.constant 1 : i32
    %dma_wait3A_50 = arith.constant 0 : i32
    %dma_wait3A_51 = arith.constant 0 : i32
    %dma_wait3A_52 = tpu.memref_slice %arg9[%dma_wait3A_49, %dma_wait3A_50, %dma_wait3A_51] : memref<2x128x64xf32, #tpu.memory_space<vmem>> -> memref<1x128x64xf32, #tpu.memory_space<vmem>>
    %dma_wait3A_53 = tpu.memref_squeeze %dma_wait3A_52 : memref<1x128x64xf32, #tpu.memory_space<vmem>> -> memref<128x64xf32, #tpu.memory_space<vmem>>
    %dma_wait3A_54 = arith.constant 0 : i32
    %dma_wait3A_55 = tpu.memref_slice %arg7[%dma_wait3A_48, %dma_wait3A_54] : memref<200x128xi32, #tpu.memory_space<vmem>> -> memref<1x128xi32, #tpu.memory_space<vmem>>
    %dma_wait3A_56 = tpu.memref_squeeze %dma_wait3A_55 : memref<1x128xi32, #tpu.memory_space<vmem>> -> memref<128xi32, #tpu.memory_space<vmem>>
    %dma_wait3A_57 = arith.constant 0 : i32
    %dma_wait3A_58 = arith.constant 0 : i32
    %dma_wait3A_59 = tpu.memref_slice %arg2[%dma_wait3A_57, %dma_wait3A_58] : memref<10000x64xf32, #tpu.memory_space<hbm>> -> memref<10000x64xf32, #tpu.memory_space<hbm>>
    tpu.wait_indirect_dma semaphore(%arg12 : memref<!tpu.dma_semaphore, #tpu.memory_space<semaphore_mem>>) src(%dma_wait3A_59 : memref<10000x64xf32, #tpu.memory_space<hbm>>) dst(%dma_wait3A_53 : memref<128x64xf32, #tpu.memory_space<vmem>>)
    %barrier3A_60 = arith.constant 0 : index
    tpu.barrier barrier_id(%barrier3A_60)
    "tpu.region"() ({
      %run_scoped3A = tpu.sem_alloc : memref<!tpu.dma_semaphore, #tpu.memory_space<semaphore_mem>>
      %dma_start3A_61 = arith.constant 0 : i32
      %dma_start3A_62 = tpu.memref_slice %arg6[%arg0, %mul3A_2, %dma_start3A_61] : memref<2x10112x64xf32, #tpu.memory_space<hbm>> -> memref<1x632x64xf32, #tpu.memory_space<hbm>>
      %dma_start3A_63 = tpu.memref_squeeze %dma_start3A_62 : memref<1x632x64xf32, #tpu.memory_space<hbm>> -> memref<632x64xf32, #tpu.memory_space<hbm>>
      %dma_start3A_64 = arith.constant 0 : i32
      %dma_start3A_65 = tpu.memref_slice %arg10[%mul3A_2, %dma_start3A_64] : memref<10112x64xf32, #tpu.memory_space<vmem_shared>> -> memref<632x64xf32, #tpu.memory_space<vmem_shared>>
      tpu.enqueue_dma source(%dma_start3A_65 : memref<632x64xf32, #tpu.memory_space<vmem_shared>>) target(%dma_start3A_63 : memref<632x64xf32, #tpu.memory_space<hbm>>) target_semaphore(%run_scoped3A : memref<!tpu.dma_semaphore, #tpu.memory_space<semaphore_mem>>)
      %dma_wait3A_66 = arith.constant 0 : i32
      %dma_wait3A_67 = tpu.memref_slice %arg6[%arg0, %mul3A_2, %dma_wait3A_66] : memref<2x10112x64xf32, #tpu.memory_space<hbm>> -> memref<1x632x64xf32, #tpu.memory_space<hbm>>
      %dma_wait3A_68 = tpu.memref_squeeze %dma_wait3A_67 : memref<1x632x64xf32, #tpu.memory_space<hbm>> -> memref<632x64xf32, #tpu.memory_space<hbm>>
      %dma_wait3A_69 = arith.constant 0 : i32
      %dma_wait3A_70 = tpu.memref_slice %arg10[%mul3A_2, %dma_wait3A_69] : memref<10112x64xf32, #tpu.memory_space<vmem_shared>> -> memref<632x64xf32, #tpu.memory_space<vmem_shared>>
      tpu.wait_dma2 semaphore(%run_scoped3A : memref<!tpu.dma_semaphore, #tpu.memory_space<semaphore_mem>>) src(%dma_wait3A_70 : memref<632x64xf32, #tpu.memory_space<vmem_shared>>) dst(%dma_wait3A_68 : memref<632x64xf32, #tpu.memory_space<hbm>>)
      tpu.yield
    }) : () -> ()
    return
  }
}

#map = affine_map<(d0, d1) -> (0, 0, 0)>
#map1 = affine_map<(d0, d1) -> (0, 0)>
module attributes {stable_mosaic.version = 14 : i64} {
  func.func @deg_kernel(%arg0: i32, %arg1: i32, %arg2: memref<32x200x128xi32, #tpu.memory_space<hbm>>, %arg3: memref<32x10112xf32, #tpu.memory_space<hbm>>, %arg4: memref<200x128xi32, #tpu.memory_space<vmem>>, %arg5: memref<10112xf32, #tpu.memory_space<vmem>>) attributes {dimension_semantics = [#tpu.dimension_semantics<core_parallel>, #tpu.dimension_semantics<subcore_parallel>], iteration_bounds = array<i64: 2, 16>, scalar_prefetch = 0 : i64, scratch_operands = 2 : i64, tpu.core_type = #tpu.core_type<sc_vector_subcore>, window_params = [{transform_indices = #map}, {transform_indices = #map1}]} {
    %mul3A = arith.constant 16 : i32
    %mul3A_0 = arith.muli %arg0, %mul3A : i32
    %add3A = arith.addi %mul3A_0, %arg1 : i32
    "tpu.region"() ({
      %run_scoped3A = tpu.sem_alloc : memref<!tpu.dma_semaphore, #tpu.memory_space<semaphore_mem>>
      %dma_start3A = arith.constant 0 : i32
      %dma_start3A_22 = arith.constant 0 : i32
      %dma_start3A_23 = tpu.memref_slice %arg2[%add3A, %dma_start3A, %dma_start3A_22] : memref<32x200x128xi32, #tpu.memory_space<hbm>> -> memref<1x200x128xi32, #tpu.memory_space<hbm>>
      %dma_start3A_24 = tpu.memref_squeeze %dma_start3A_23 : memref<1x200x128xi32, #tpu.memory_space<hbm>> -> memref<200x128xi32, #tpu.memory_space<hbm>>
      %dma_start3A_25 = arith.constant 0 : i32
      %dma_start3A_26 = arith.constant 0 : i32
      %dma_start3A_27 = tpu.memref_slice %arg2[%add3A, %dma_start3A_25, %dma_start3A_26] : memref<32x200x128xi32, #tpu.memory_space<hbm>> -> memref<1x200x128xi32, #tpu.memory_space<hbm>>
      %dma_start3A_28 = tpu.memref_squeeze %dma_start3A_27 : memref<1x200x128xi32, #tpu.memory_space<hbm>> -> memref<200x128xi32, #tpu.memory_space<hbm>>
      tpu.enqueue_dma source(%dma_start3A_28 : memref<200x128xi32, #tpu.memory_space<hbm>>) target(%arg4 : memref<200x128xi32, #tpu.memory_space<vmem>>) target_semaphore(%run_scoped3A : memref<!tpu.dma_semaphore, #tpu.memory_space<semaphore_mem>>)
      %dma_wait3A = arith.constant 0 : i32
      %dma_wait3A_29 = arith.constant 0 : i32
      %dma_wait3A_30 = tpu.memref_slice %arg2[%add3A, %dma_wait3A, %dma_wait3A_29] : memref<32x200x128xi32, #tpu.memory_space<hbm>> -> memref<1x200x128xi32, #tpu.memory_space<hbm>>
      %dma_wait3A_31 = tpu.memref_squeeze %dma_wait3A_30 : memref<1x200x128xi32, #tpu.memory_space<hbm>> -> memref<200x128xi32, #tpu.memory_space<hbm>>
      %dma_wait3A_32 = arith.constant 0 : i32
      %dma_wait3A_33 = arith.constant 0 : i32
      %dma_wait3A_34 = tpu.memref_slice %arg2[%add3A, %dma_wait3A_32, %dma_wait3A_33] : memref<32x200x128xi32, #tpu.memory_space<hbm>> -> memref<1x200x128xi32, #tpu.memory_space<hbm>>
      %dma_wait3A_35 = tpu.memref_squeeze %dma_wait3A_34 : memref<1x200x128xi32, #tpu.memory_space<hbm>> -> memref<200x128xi32, #tpu.memory_space<hbm>>
      tpu.wait_dma2 semaphore(%run_scoped3A : memref<!tpu.dma_semaphore, #tpu.memory_space<semaphore_mem>>) src(%dma_wait3A_35 : memref<200x128xi32, #tpu.memory_space<hbm>>) dst(%arg4 : memref<200x128xi32, #tpu.memory_space<vmem>>)
      tpu.yield
    }) : () -> ()
    %broadcast_in_dim3A = arith.constant 0.000000e+00 : f32
    %broadcast_in_dim3A_1 = vector.broadcast %broadcast_in_dim3A : f32 to vector<16xf32>
    %scan3A = arith.constant 0 : i32
    %scan3A_2 = arith.constant 0 : i32
    %scan3A_3 = arith.constant 632 : i32
    %scan3A_4 = arith.addi %scan3A_2, %scan3A_3 : i32
    %scan3A_5 = arith.constant 1 : i32
    scf.for %scan3A_22 = %scan3A_2 to %scan3A_4 step %scan3A_5  : i32 {
      %mul3A_23 = arith.constant 16 : i32
      %mul3A_24 = arith.muli %scan3A_22, %mul3A_23 : i32
      %swap3A = arith.index_cast %mul3A_24 : i32 to index
      %swap3A_25 = tpu.vector_load %arg5[%swap3A] {strides = array<i32>} : memref<10112xf32, #tpu.memory_space<vmem>>, vector<16xf32>,
      tpu.vector_store %arg5[%swap3A], %broadcast_in_dim3A_1 {strides = array<i32>} : memref<10112xf32, #tpu.memory_space<vmem>>, vector<16xf32>,
    }
    %scan3A_6 = arith.constant 632 : i32
    %broadcast_in_dim3A_7 = arith.constant 1.000000e+00 : f32
    %broadcast_in_dim3A_8 = vector.broadcast %broadcast_in_dim3A_7 : f32 to vector<16xf32>
    %eq3A = arith.constant 0 : i32
    %eq3A_9 = arith.cmpi eq, %arg0, %eq3A : i32
    %jit3A = arith.constant 198 : i32
    %jit3A_10 = arith.constant 116 : i32
    %select_n3A = arith.select %eq3A_9, %jit3A, %jit3A_10 : i32
    %mul3A_11 = arith.constant 8 : i32
    %mul3A_12 = arith.muli %select_n3A, %mul3A_11 : i32
    %while3A = arith.constant 0 : i32
    %while3A_13 = arith.constant 0 : i32
    %while3A_14 = arith.subi %mul3A_12, %while3A_13 : i32
    %while3A_15 = arith.addi %while3A_13, %while3A_14 : i32
    %while3A_16 = arith.constant 1 : i32
    %while3A_17 = arith.divsi %while3A_14, %while3A_16 : i32
    %while3A_18 = arith.muli %while3A_17, %while3A_16 : i32
    %while3A_19 = arith.addi %while3A_13, %while3A_18 : i32
    %while3A_20 = arith.constant 1 : i32
    scf.for %while3A_22 = %while3A_13 to %while3A_19 step %while3A_20  : i32 {
      %jit3A_23 = arith.constant 8 : i32
      %div3A = arith.divsi %while3A_22, %jit3A_23 : i32
      %sign3A = arith.constant 0 : i32
      %sign3A_24 = arith.cmpi sgt, %while3A_22, %sign3A : i32
      %sign3A_25 = arith.extui %sign3A_24 : i1 to i32
      %sign3A_26 = arith.constant 0 : i32
      %sign3A_27 = arith.cmpi slt, %while3A_22, %sign3A_26 : i32
      %sign3A_28 = arith.extui %sign3A_27 : i1 to i32
      %sign3A_29 = arith.subi %sign3A_25, %sign3A_28 : i32
      %sign3A_30 = arith.constant 0 : i32
      %sign3A_31 = arith.cmpi sgt, %jit3A_23, %sign3A_30 : i32
      %sign3A_32 = arith.extui %sign3A_31 : i1 to i32
      %sign3A_33 = arith.constant 0 : i32
      %sign3A_34 = arith.cmpi slt, %jit3A_23, %sign3A_33 : i32
      %sign3A_35 = arith.extui %sign3A_34 : i1 to i32
      %sign3A_36 = arith.subi %sign3A_32, %sign3A_35 : i32
      %ne3A = arith.cmpi ne, %sign3A_29, %sign3A_36 : i32
      %rem3A = arith.remsi %while3A_22, %jit3A_23 : i32
      %ne3A_37 = arith.constant 0 : i32
      %ne3A_38 = arith.cmpi ne, %rem3A, %ne3A_37 : i32
      %and3A = arith.andi %ne3A, %ne3A_38 : i1
      %sub3A = arith.constant 1 : i32
      %sub3A_39 = arith.subi %div3A, %sub3A : i32
      %select_n3A_40 = arith.select %and3A, %sub3A_39, %div3A : i32
      %jit3A_41 = arith.constant 8 : i32
      %eq3A_42 = arith.constant 0 : i32
      %eq3A_43 = arith.cmpi eq, %jit3A_41, %eq3A_42 : i32
      %jit3A_44 = arith.constant 1 : i32
      %select_n3A_45 = arith.select %eq3A_43, %jit3A_44, %jit3A_41 : i32
      %rem3A_46 = arith.remsi %while3A_22, %select_n3A_45 : i32
      %ne3A_47 = arith.constant 0 : i32
      %ne3A_48 = arith.cmpi ne, %rem3A_46, %ne3A_47 : i32
      %lt3A = arith.constant 0 : i32
      %lt3A_49 = arith.cmpi slt, %rem3A_46, %lt3A : i32
      %lt3A_50 = arith.constant 0 : i32
      %lt3A_51 = arith.cmpi slt, %select_n3A_45, %lt3A_50 : i32
      %ne3A_52 = arith.xori %lt3A_49, %lt3A_51 : i1
      %and3A_53 = arith.andi %ne3A_52, %ne3A_48 : i1
      %add3A_54 = arith.addi %rem3A_46, %select_n3A_45 : i32
      %select_n3A_55 = arith.select %and3A_53, %add3A_54, %rem3A_46 : i32
      %mul3A_56 = arith.constant 16 : i32
      %mul3A_57 = arith.muli %select_n3A_55, %mul3A_56 : i32
      %get3A = arith.index_cast %select_n3A_40 : i32 to index
      %get3A_58 = arith.index_cast %mul3A_57 : i32 to index
      %get3A_59 = tpu.vector_load %arg4[%get3A, %get3A_58] {strides = array<i32>} : memref<200x128xi32, #tpu.memory_space<vmem>>, vector<16xi32>,
      tpu.vector_store_idx %arg5[%get3A_59], %broadcast_in_dim3A_8 {add = true} : memref<10112xf32, #tpu.memory_space<vmem>>[vector<16xi32>], vector<16xf32>,
    }
    %while3A_21 = arith.constant 1 : i32
    scf.for %while3A_22 = %while3A_19 to %while3A_15 step %while3A_21  : i32 {
      %jit3A_23 = arith.constant 8 : i32
      %div3A = arith.divsi %while3A_22, %jit3A_23 : i32
      %sign3A = arith.constant 0 : i32
      %sign3A_24 = arith.cmpi sgt, %while3A_22, %sign3A : i32
      %sign3A_25 = arith.extui %sign3A_24 : i1 to i32
      %sign3A_26 = arith.constant 0 : i32
      %sign3A_27 = arith.cmpi slt, %while3A_22, %sign3A_26 : i32
      %sign3A_28 = arith.extui %sign3A_27 : i1 to i32
      %sign3A_29 = arith.subi %sign3A_25, %sign3A_28 : i32
      %sign3A_30 = arith.constant 0 : i32
      %sign3A_31 = arith.cmpi sgt, %jit3A_23, %sign3A_30 : i32
      %sign3A_32 = arith.extui %sign3A_31 : i1 to i32
      %sign3A_33 = arith.constant 0 : i32
      %sign3A_34 = arith.cmpi slt, %jit3A_23, %sign3A_33 : i32
      %sign3A_35 = arith.extui %sign3A_34 : i1 to i32
      %sign3A_36 = arith.subi %sign3A_32, %sign3A_35 : i32
      %ne3A = arith.cmpi ne, %sign3A_29, %sign3A_36 : i32
      %rem3A = arith.remsi %while3A_22, %jit3A_23 : i32
      %ne3A_37 = arith.constant 0 : i32
      %ne3A_38 = arith.cmpi ne, %rem3A, %ne3A_37 : i32
      %and3A = arith.andi %ne3A, %ne3A_38 : i1
      %sub3A = arith.constant 1 : i32
      %sub3A_39 = arith.subi %div3A, %sub3A : i32
      %select_n3A_40 = arith.select %and3A, %sub3A_39, %div3A : i32
      %jit3A_41 = arith.constant 8 : i32
      %eq3A_42 = arith.constant 0 : i32
      %eq3A_43 = arith.cmpi eq, %jit3A_41, %eq3A_42 : i32
      %jit3A_44 = arith.constant 1 : i32
      %select_n3A_45 = arith.select %eq3A_43, %jit3A_44, %jit3A_41 : i32
      %rem3A_46 = arith.remsi %while3A_22, %select_n3A_45 : i32
      %ne3A_47 = arith.constant 0 : i32
      %ne3A_48 = arith.cmpi ne, %rem3A_46, %ne3A_47 : i32
      %lt3A = arith.constant 0 : i32
      %lt3A_49 = arith.cmpi slt, %rem3A_46, %lt3A : i32
      %lt3A_50 = arith.constant 0 : i32
      %lt3A_51 = arith.cmpi slt, %select_n3A_45, %lt3A_50 : i32
      %ne3A_52 = arith.xori %lt3A_49, %lt3A_51 : i1
      %and3A_53 = arith.andi %ne3A_52, %ne3A_48 : i1
      %add3A_54 = arith.addi %rem3A_46, %select_n3A_45 : i32
      %select_n3A_55 = arith.select %and3A_53, %add3A_54, %rem3A_46 : i32
      %mul3A_56 = arith.constant 16 : i32
      %mul3A_57 = arith.muli %select_n3A_55, %mul3A_56 : i32
      %get3A = arith.index_cast %select_n3A_40 : i32 to index
      %get3A_58 = arith.index_cast %mul3A_57 : i32 to index
      %get3A_59 = tpu.vector_load %arg4[%get3A, %get3A_58] {strides = array<i32>} : memref<200x128xi32, #tpu.memory_space<vmem>>, vector<16xi32>,
      tpu.vector_store_idx %arg5[%get3A_59], %broadcast_in_dim3A_8 {add = true} : memref<10112xf32, #tpu.memory_space<vmem>>[vector<16xi32>], vector<16xf32>,
    }
    "tpu.region"() ({
      %run_scoped3A = tpu.sem_alloc : memref<!tpu.dma_semaphore, #tpu.memory_space<semaphore_mem>>
      %dma_start3A = arith.constant 0 : i32
      %dma_start3A_22 = tpu.memref_slice %arg3[%add3A, %dma_start3A] : memref<32x10112xf32, #tpu.memory_space<hbm>> -> memref<1x10112xf32, #tpu.memory_space<hbm>>
      %dma_start3A_23 = tpu.memref_squeeze %dma_start3A_22 : memref<1x10112xf32, #tpu.memory_space<hbm>> -> memref<10112xf32, #tpu.memory_space<hbm>>
      %dma_start3A_24 = arith.constant 0 : i32
      %dma_start3A_25 = tpu.memref_slice %arg3[%add3A, %dma_start3A_24] : memref<32x10112xf32, #tpu.memory_space<hbm>> -> memref<1x10112xf32, #tpu.memory_space<hbm>>
      %dma_start3A_26 = tpu.memref_squeeze %dma_start3A_25 : memref<1x10112xf32, #tpu.memory_space<hbm>> -> memref<10112xf32, #tpu.memory_space<hbm>>
      tpu.enqueue_dma source(%arg5 : memref<10112xf32, #tpu.memory_space<vmem>>) target(%dma_start3A_26 : memref<10112xf32, #tpu.memory_space<hbm>>) target_semaphore(%run_scoped3A : memref<!tpu.dma_semaphore, #tpu.memory_space<semaphore_mem>>)
      %dma_wait3A = arith.constant 0 : i32
      %dma_wait3A_27 = tpu.memref_slice %arg3[%add3A, %dma_wait3A] : memref<32x10112xf32, #tpu.memory_space<hbm>> -> memref<1x10112xf32, #tpu.memory_space<hbm>>
      %dma_wait3A_28 = tpu.memref_squeeze %dma_wait3A_27 : memref<1x10112xf32, #tpu.memory_space<hbm>> -> memref<10112xf32, #tpu.memory_space<hbm>>
      %dma_wait3A_29 = arith.constant 0 : i32
      %dma_wait3A_30 = tpu.memref_slice %arg3[%add3A, %dma_wait3A_29] : memref<32x10112xf32, #tpu.memory_space<hbm>> -> memref<1x10112xf32, #tpu.memory_space<hbm>>
      %dma_wait3A_31 = tpu.memref_squeeze %dma_wait3A_30 : memref<1x10112xf32, #tpu.memory_space<hbm>> -> memref<10112xf32, #tpu.memory_space<hbm>>
      tpu.wait_dma2 semaphore(%run_scoped3A : memref<!tpu.dma_semaphore, #tpu.memory_space<semaphore_mem>>) src(%arg5 : memref<10112xf32, #tpu.memory_space<vmem>>) dst(%dma_wait3A_31 : memref<10112xf32, #tpu.memory_space<hbm>>)
      tpu.yield
    }) : () -> ()
    return
  }
}

module attributes {stable_mosaic.version = 14 : i64} {
  func.func @body(%arg0: i32, %arg1: memref<32x1024xf32, #tpu.memory_space<vmem>>, %arg2: memref<1024x128xf32, #tpu.memory_space<vmem>>, %arg3: memref<128x64xf32, #tpu.memory_space<vmem>>, %arg4: memref<1024x64xf32, #tpu.memory_space<vmem>>, %arg5: memref<1024x1xf32, #tpu.memory_space<vmem>>) attributes {dimension_semantics = [#tpu.dimension_semantics<arbitrary>], iteration_bounds = array<i64: 10>, scalar_prefetch = 0 : i64, scratch_operands = 0 : i64, tpu.core_type = #tpu.core_type<tc>, window_params = [{transform_indices = @transform_0, window_bounds = array<i64: 32, 1024>}, {transform_indices = @transform_1, window_bounds = array<i64: 1024, 128>}, {pipeline_mode = #tpu.pipeline_mode<synchronous>, transform_indices = @transform_2, window_bounds = array<i64: 128, 64>}, {transform_indices = @transform_3, window_bounds = array<i64: 1024, 64>}, {transform_indices = @transform_4, window_bounds = array<i64: 1024, 1>}]} {
    %get3A = arith.constant 0 : index
    %get3A_0 = arith.constant 0 : index
    %get3A_1 = vector.load %arg1[%get3A, %get3A_0] : memref<32x1024xf32, #tpu.memory_space<vmem>>, vector<32x1024xf32>
    %reduce_sum3A = arith.constant dense<0.000000e+00> : vector<1024xf32>
    %reduce_sum3A_2 = vector.multi_reduction <add>, %get3A_1, %reduce_sum3A [0] : vector<32x1024xf32> to vector<1024xf32>
    %add3A = arith.constant 1.000000e+00 : f32
    %add3A_3 = vector.broadcast %add3A : f32 to vector<1024xf32>
    %add3A_4 = arith.addf %reduce_sum3A_2, %add3A_3 : vector<1024xf32>
    %rsqrt3A = math.rsqrt %add3A_4 : vector<1024xf32>
    %broadcast_in_dim3A = vector.shape_cast %rsqrt3A : vector<1024xf32> to vector<1024x1xf32>
    %get3A_5 = arith.constant 0 : index
    %get3A_6 = arith.constant 0 : index
    %get3A_7 = vector.load %arg2[%get3A_5, %get3A_6] : memref<1024x128xf32, #tpu.memory_space<vmem>>, vector<1024x128xf32>
    %get3A_8 = arith.constant 0 : index
    %get3A_9 = arith.constant 0 : index
    %get3A_10 = vector.load %arg3[%get3A_8, %get3A_9] : memref<128x64xf32, #tpu.memory_space<vmem>>, vector<128x64xf32>
    %dot_general3A = arith.constant dense<0.000000e+00> : vector<1024x64xf32>
    %dot_general3A_11 = tpu.matmul %get3A_7, %get3A_10, %dot_general3A {dimension_numbers = #tpu.dot_dimension_numbers<[1], [0], [0], [1], [0, 0, 1, 1], [], []>, transpose_lhs_hint = false} : vector<1024x128xf32>, vector<128x64xf32>, vector<1024x64xf32> -> vector<1024x64xf32>
    %mul3A = vector.broadcast %broadcast_in_dim3A : vector<1024x1xf32> to vector<1024x64xf32>
    %mul3A_12 = arith.mulf %mul3A, %dot_general3A_11 : vector<1024x64xf32>
    %swap3A = arith.constant 0 : index
    %swap3A_13 = arith.constant 0 : index
    %swap3A_14 = vector.load %arg4[%swap3A, %swap3A_13] : memref<1024x64xf32, #tpu.memory_space<vmem>>, vector<1024x64xf32>
    tpu.vector_store %arg4[%swap3A, %swap3A_13], %mul3A_12 {strides = array<i32>} : memref<1024x64xf32, #tpu.memory_space<vmem>>, vector<1024x64xf32>,
    %swap3A_15 = arith.constant 0 : index
    %swap3A_16 = arith.constant 0 : index
    %swap3A_17 = vector.load %arg5[%swap3A_15, %swap3A_16] : memref<1024x1xf32, #tpu.memory_space<vmem>>, vector<1024x1xf32>
    tpu.vector_store %arg5[%swap3A_15, %swap3A_16], %broadcast_in_dim3A {strides = array<i32>} : memref<1024x1xf32, #tpu.memory_space<vmem>>, vector<1024x1xf32>,
    return
  }
  func.func @transform_0(%arg0: i32) -> (i32, i32) {
    %c0_i32 = arith.constant 0 : i32
    %c0_i32_0 = arith.constant 0 : i32
    return %c0_i32, %arg0 : i32, i32
  }
  func.func @transform_1(%arg0: i32) -> (i32, i32) {
    %c0_i32 = arith.constant 0 : i32
    %c0_i32_0 = arith.constant 0 : i32
    return %arg0, %c0_i32 : i32, i32
  }
  func.func @transform_2(%arg0: i32) -> (i32, i32) {
    %c0_i32 = arith.constant 0 : i32
    %c0_i32_0 = arith.constant 0 : i32
    %c0_i32_1 = arith.constant 0 : i32
    return %c0_i32, %c0_i32_0 : i32, i32
  }
  func.func @transform_3(%arg0: i32) -> (i32, i32) {
    %c0_i32 = arith.constant 0 : i32
    %c0_i32_0 = arith.constant 0 : i32
    return %arg0, %c0_i32 : i32, i32
  }
  func.func @transform_4(%arg0: i32) -> (i32, i32) {
    %c0_i32 = arith.constant 0 : i32
    %c0_i32_0 = arith.constant 0 : i32
    return %arg0, %c0_i32 : i32, i32
  }
}

module attributes {stable_mosaic.version = 14 : i64} {
  func.func @body(%arg0: i32, %arg1: memref<1024x1xf32, #tpu.memory_space<vmem>>, %arg2: memref<2x1024x64xf32, #tpu.memory_space<vmem>>, %arg3: memref<1024x64xf32, #tpu.memory_space<vmem>>, %arg4: memref<1x64xf32, #tpu.memory_space<vmem>>, %arg5: memref<64x32xf32, #tpu.memory_space<vmem>>, %arg6: memref<1024x32xf32, #tpu.memory_space<vmem>>) attributes {dimension_semantics = [#tpu.dimension_semantics<arbitrary>], iteration_bounds = array<i64: 10>, scalar_prefetch = 0 : i64, scratch_operands = 0 : i64, tpu.core_type = #tpu.core_type<tc>, window_params = [{transform_indices = @transform_0, window_bounds = array<i64: 1024, 1>}, {transform_indices = @transform_1, window_bounds = array<i64: 2, 1024, 64>}, {transform_indices = @transform_2, window_bounds = array<i64: 1024, 64>}, {pipeline_mode = #tpu.pipeline_mode<synchronous>, transform_indices = @transform_3, window_bounds = array<i64: 1, 64>}, {pipeline_mode = #tpu.pipeline_mode<synchronous>, transform_indices = @transform_4, window_bounds = array<i64: 64, 32>}, {transform_indices = @transform_5, window_bounds = array<i64: 1024, 32>}]} {
    %get3A = arith.constant 0 : index
    %get3A_0 = arith.constant 0 : index
    %get3A_1 = vector.load %arg1[%get3A, %get3A_0] : memref<1024x1xf32, #tpu.memory_space<vmem>>, vector<1024x1xf32>
    %get3A_2 = arith.constant 0 : index
    %get3A_3 = arith.constant 0 : index
    %get3A_4 = arith.constant 0 : index
    %get3A_5 = vector.load %arg2[%get3A_2, %get3A_3, %get3A_4] : memref<2x1024x64xf32, #tpu.memory_space<vmem>>, vector<1x1024x64xf32>
    %get3A_6 = vector.shape_cast %get3A_5 : vector<1x1024x64xf32> to vector<1024x64xf32>
    %get3A_7 = arith.constant 1 : index
    %get3A_8 = arith.constant 0 : index
    %get3A_9 = arith.constant 0 : index
    %get3A_10 = vector.load %arg2[%get3A_7, %get3A_8, %get3A_9] : memref<2x1024x64xf32, #tpu.memory_space<vmem>>, vector<1x1024x64xf32>
    %get3A_11 = vector.shape_cast %get3A_10 : vector<1x1024x64xf32> to vector<1024x64xf32>
    %add3A = arith.addf %get3A_6, %get3A_11 : vector<1024x64xf32>
    %get3A_12 = arith.constant 0 : index
    %get3A_13 = arith.constant 0 : index
    %get3A_14 = vector.load %arg3[%get3A_12, %get3A_13] : memref<1024x64xf32, #tpu.memory_space<vmem>>, vector<1024x64xf32>
    %add3A_15 = arith.addf %add3A, %get3A_14 : vector<1024x64xf32>
    %mul3A = vector.broadcast %get3A_1 : vector<1024x1xf32> to vector<1024x64xf32>
    %mul3A_16 = arith.mulf %mul3A, %add3A_15 : vector<1024x64xf32>
    %get3A_17 = arith.constant 0 : index
    %get3A_18 = arith.constant 0 : index
    %get3A_19 = vector.load %arg4[%get3A_17, %get3A_18] : memref<1x64xf32, #tpu.memory_space<vmem>>, vector<1x64xf32>
    %add3A_20 = vector.broadcast %get3A_19 : vector<1x64xf32> to vector<1024x64xf32>
    %add3A_21 = arith.addf %mul3A_16, %add3A_20 : vector<1024x64xf32>
    %max3A = arith.constant 0.000000e+00 : f32
    %max3A_22 = vector.broadcast %max3A : f32 to vector<1024x64xf32>
    %max3A_23 = arith.maximumf %add3A_21, %max3A_22 : vector<1024x64xf32>
    %get3A_24 = arith.constant 0 : index
    %get3A_25 = arith.constant 0 : index
    %get3A_26 = vector.load %arg5[%get3A_24, %get3A_25] : memref<64x32xf32, #tpu.memory_space<vmem>>, vector<64x32xf32>
    %dot_general3A = arith.constant dense<0.000000e+00> : vector<1024x32xf32>
    %dot_general3A_27 = tpu.matmul %max3A_23, %get3A_26, %dot_general3A {dimension_numbers = #tpu.dot_dimension_numbers<[1], [0], [0], [1], [0, 0, 1, 1], [], []>, transpose_lhs_hint = false} : vector<1024x64xf32>, vector<64x32xf32>, vector<1024x32xf32> -> vector<1024x32xf32>
    %mul3A_28 = vector.broadcast %get3A_1 : vector<1024x1xf32> to vector<1024x32xf32>
    %mul3A_29 = arith.mulf %mul3A_28, %dot_general3A_27 : vector<1024x32xf32>
    %swap3A = arith.constant 0 : index
    %swap3A_30 = arith.constant 0 : index
    %swap3A_31 = vector.load %arg6[%swap3A, %swap3A_30] : memref<1024x32xf32, #tpu.memory_space<vmem>>, vector<1024x32xf32>
    tpu.vector_store %arg6[%swap3A, %swap3A_30], %mul3A_29 {strides = array<i32>} : memref<1024x32xf32, #tpu.memory_space<vmem>>, vector<1024x32xf32>,
    return
  }
  func.func @transform_0(%arg0: i32) -> (i32, i32) {
    %c0_i32 = arith.constant 0 : i32
    %c0_i32_0 = arith.constant 0 : i32
    return %arg0, %c0_i32 : i32, i32
  }
  func.func @transform_1(%arg0: i32) -> (i32, i32, i32) {
    %c0_i32 = arith.constant 0 : i32
    %c0_i32_0 = arith.constant 0 : i32
    %c0_i32_1 = arith.constant 0 : i32
    return %c0_i32, %arg0, %c0_i32_0 : i32, i32, i32
  }
  func.func @transform_2(%arg0: i32) -> (i32, i32) {
    %c0_i32 = arith.constant 0 : i32
    %c0_i32_0 = arith.constant 0 : i32
    return %arg0, %c0_i32 : i32, i32
  }
  func.func @transform_3(%arg0: i32) -> (i32, i32) {
    %c0_i32 = arith.constant 0 : i32
    %c0_i32_0 = arith.constant 0 : i32
    %c0_i32_1 = arith.constant 0 : i32
    return %c0_i32, %c0_i32_0 : i32, i32
  }
  func.func @transform_4(%arg0: i32) -> (i32, i32) {
    %c0_i32 = arith.constant 0 : i32
    %c0_i32_0 = arith.constant 0 : i32
    %c0_i32_1 = arith.constant 0 : i32
    return %c0_i32, %c0_i32_0 : i32, i32
  }
  func.func @transform_5(%arg0: i32) -> (i32, i32) {
    %c0_i32 = arith.constant 0 : i32
    %c0_i32_0 = arith.constant 0 : i32
    return %arg0, %c0_i32 : i32, i32
  }
}

module attributes {stable_mosaic.version = 14 : i64} {
  func.func @body(%arg0: i32, %arg1: memref<1024x1xf32, #tpu.memory_space<vmem>>, %arg2: memref<2x1024x32xf32, #tpu.memory_space<vmem>>, %arg3: memref<1024x32xf32, #tpu.memory_space<vmem>>, %arg4: memref<1x32xf32, #tpu.memory_space<vmem>>, %arg5: memref<32x64xf32, #tpu.memory_space<vmem>>, %arg6: memref<1x64xf32, #tpu.memory_space<vmem>>, %arg7: memref<64x128xf32, #tpu.memory_space<vmem>>, %arg8: memref<1x128xf32, #tpu.memory_space<vmem>>, %arg9: memref<1024x128xf32, #tpu.memory_space<vmem>>) attributes {dimension_semantics = [#tpu.dimension_semantics<arbitrary>], iteration_bounds = array<i64: 10>, scalar_prefetch = 0 : i64, scratch_operands = 0 : i64, tpu.core_type = #tpu.core_type<tc>, window_params = [{transform_indices = @transform_0, window_bounds = array<i64: 1024, 1>}, {transform_indices = @transform_1, window_bounds = array<i64: 2, 1024, 32>}, {transform_indices = @transform_2, window_bounds = array<i64: 1024, 32>}, {pipeline_mode = #tpu.pipeline_mode<synchronous>, transform_indices = @transform_3, window_bounds = array<i64: 1, 32>}, {pipeline_mode = #tpu.pipeline_mode<synchronous>, transform_indices = @transform_4, window_bounds = array<i64: 32, 64>}, {pipeline_mode = #tpu.pipeline_mode<synchronous>, transform_indices = @transform_5, window_bounds = array<i64: 1, 64>}, {pipeline_mode = #tpu.pipeline_mode<synchronous>, transform_indices = @transform_6, window_bounds = array<i64: 64, 128>}, {pipeline_mode = #tpu.pipeline_mode<synchronous>, transform_indices = @transform_7, window_bounds = array<i64: 1, 128>}, {transform_indices = @transform_8, window_bounds = array<i64: 1024, 128>}]} {
    %get3A = arith.constant 0 : index
    %get3A_0 = arith.constant 0 : index
    %get3A_1 = vector.load %arg1[%get3A, %get3A_0] : memref<1024x1xf32, #tpu.memory_space<vmem>>, vector<1024x1xf32>
    %get3A_2 = arith.constant 0 : index
    %get3A_3 = arith.constant 0 : index
    %get3A_4 = arith.constant 0 : index
    %get3A_5 = vector.load %arg2[%get3A_2, %get3A_3, %get3A_4] : memref<2x1024x32xf32, #tpu.memory_space<vmem>>, vector<1x1024x32xf32>
    %get3A_6 = vector.shape_cast %get3A_5 : vector<1x1024x32xf32> to vector<1024x32xf32>
    %get3A_7 = arith.constant 1 : index
    %get3A_8 = arith.constant 0 : index
    %get3A_9 = arith.constant 0 : index
    %get3A_10 = vector.load %arg2[%get3A_7, %get3A_8, %get3A_9] : memref<2x1024x32xf32, #tpu.memory_space<vmem>>, vector<1x1024x32xf32>
    %get3A_11 = vector.shape_cast %get3A_10 : vector<1x1024x32xf32> to vector<1024x32xf32>
    %add3A = arith.addf %get3A_6, %get3A_11 : vector<1024x32xf32>
    %get3A_12 = arith.constant 0 : index
    %get3A_13 = arith.constant 0 : index
    %get3A_14 = vector.load %arg3[%get3A_12, %get3A_13] : memref<1024x32xf32, #tpu.memory_space<vmem>>, vector<1024x32xf32>
    %add3A_15 = arith.addf %add3A, %get3A_14 : vector<1024x32xf32>
    %mul3A = vector.broadcast %get3A_1 : vector<1024x1xf32> to vector<1024x32xf32>
    %mul3A_16 = arith.mulf %mul3A, %add3A_15 : vector<1024x32xf32>
    %get3A_17 = arith.constant 0 : index
    %get3A_18 = arith.constant 0 : index
    %get3A_19 = vector.load %arg4[%get3A_17, %get3A_18] : memref<1x32xf32, #tpu.memory_space<vmem>>, vector<1x32xf32>
    %add3A_20 = vector.broadcast %get3A_19 : vector<1x32xf32> to vector<1024x32xf32>
    %add3A_21 = arith.addf %mul3A_16, %add3A_20 : vector<1024x32xf32>
    %max3A = arith.constant 0.000000e+00 : f32
    %max3A_22 = vector.broadcast %max3A : f32 to vector<1024x32xf32>
    %max3A_23 = arith.maximumf %add3A_21, %max3A_22 : vector<1024x32xf32>
    %get3A_24 = arith.constant 0 : index
    %get3A_25 = arith.constant 0 : index
    %get3A_26 = vector.load %arg5[%get3A_24, %get3A_25] : memref<32x64xf32, #tpu.memory_space<vmem>>, vector<32x64xf32>
    %dot_general3A = arith.constant dense<0.000000e+00> : vector<1024x64xf32>
    %dot_general3A_27 = tpu.matmul %max3A_23, %get3A_26, %dot_general3A {dimension_numbers = #tpu.dot_dimension_numbers<[1], [0], [0], [1], [0, 0, 1, 1], [], []>, transpose_lhs_hint = false} : vector<1024x32xf32>, vector<32x64xf32>, vector<1024x64xf32> -> vector<1024x64xf32>
    %get3A_28 = arith.constant 0 : index
    %get3A_29 = arith.constant 0 : index
    %get3A_30 = vector.load %arg6[%get3A_28, %get3A_29] : memref<1x64xf32, #tpu.memory_space<vmem>>, vector<1x64xf32>
    %add3A_31 = vector.broadcast %get3A_30 : vector<1x64xf32> to vector<1024x64xf32>
    %add3A_32 = arith.addf %dot_general3A_27, %add3A_31 : vector<1024x64xf32>
    %max3A_33 = arith.constant 0.000000e+00 : f32
    %max3A_34 = vector.broadcast %max3A_33 : f32 to vector<1024x64xf32>
    %max3A_35 = arith.maximumf %add3A_32, %max3A_34 : vector<1024x64xf32>
    %get3A_36 = arith.constant 0 : index
    %get3A_37 = arith.constant 0 : index
    %get3A_38 = vector.load %arg7[%get3A_36, %get3A_37] : memref<64x128xf32, #tpu.memory_space<vmem>>, vector<64x128xf32>
    %dot_general3A_39 = arith.constant dense<0.000000e+00> : vector<1024x128xf32>
    %dot_general3A_40 = tpu.matmul %max3A_35, %get3A_38, %dot_general3A_39 {dimension_numbers = #tpu.dot_dimension_numbers<[1], [0], [0], [1], [0, 0, 1, 1], [], []>, transpose_lhs_hint = false} : vector<1024x64xf32>, vector<64x128xf32>, vector<1024x128xf32> -> vector<1024x128xf32>
    %get3A_41 = arith.constant 0 : index
    %get3A_42 = arith.constant 0 : index
    %get3A_43 = vector.load %arg8[%get3A_41, %get3A_42] : memref<1x128xf32, #tpu.memory_space<vmem>>, vector<1x128xf32>
    %add3A_44 = vector.broadcast %get3A_43 : vector<1x128xf32> to vector<1024x128xf32>
    %add3A_45 = arith.addf %dot_general3A_40, %add3A_44 : vector<1024x128xf32>
    %logistic3A = arith.negf %add3A_45 : vector<1024x128xf32>
    %logistic3A_46 = math.exp %logistic3A : vector<1024x128xf32>
    %logistic3A_47 = arith.constant 1.000000e+00 : f32
    %logistic3A_48 = vector.broadcast %logistic3A_47 : f32 to vector<1024x128xf32>
    %logistic3A_49 = arith.addf %logistic3A_48, %logistic3A_46 : vector<1024x128xf32>
    %logistic3A_50 = arith.divf %logistic3A_48, %logistic3A_49 : vector<1024x128xf32>
    %swap3A = arith.constant 0 : index
    %swap3A_51 = arith.constant 0 : index
    %swap3A_52 = vector.load %arg9[%swap3A, %swap3A_51] : memref<1024x128xf32, #tpu.memory_space<vmem>>, vector<1024x128xf32>
    tpu.vector_store %arg9[%swap3A, %swap3A_51], %logistic3A_50 {strides = array<i32>} : memref<1024x128xf32, #tpu.memory_space<vmem>>, vector<1024x128xf32>,
    return
  }
  func.func @transform_0(%arg0: i32) -> (i32, i32) {
    %c0_i32 = arith.constant 0 : i32
    %c0_i32_0 = arith.constant 0 : i32
    return %arg0, %c0_i32 : i32, i32
  }
  func.func @transform_1(%arg0: i32) -> (i32, i32, i32) {
    %c0_i32 = arith.constant 0 : i32
    %c0_i32_0 = arith.constant 0 : i32
    %c0_i32_1 = arith.constant 0 : i32
    return %c0_i32, %arg0, %c0_i32_0 : i32, i32, i32
  }
  func.func @transform_2(%arg0: i32) -> (i32, i32) {
    %c0_i32 = arith.constant 0 : i32
    %c0_i32_0 = arith.constant 0 : i32
    return %arg0, %c0_i32 : i32, i32
  }
  func.func @transform_3(%arg0: i32) -> (i32, i32) {
    %c0_i32 = arith.constant 0 : i32
    %c0_i32_0 = arith.constant 0 : i32
    %c0_i32_1 = arith.constant 0 : i32
    return %c0_i32, %c0_i32_0 : i32, i32
  }
  func.func @transform_4(%arg0: i32) -> (i32, i32) {
    %c0_i32 = arith.constant 0 : i32
    %c0_i32_0 = arith.constant 0 : i32
    %c0_i32_1 = arith.constant 0 : i32
    return %c0_i32, %c0_i32_0 : i32, i32
  }
  func.func @transform_5(%arg0: i32) -> (i32, i32) {
    %c0_i32 = arith.constant 0 : i32
    %c0_i32_0 = arith.constant 0 : i32
    %c0_i32_1 = arith.constant 0 : i32
    return %c0_i32, %c0_i32_0 : i32, i32
  }
  func.func @transform_6(%arg0: i32) -> (i32, i32) {
    %c0_i32 = arith.constant 0 : i32
    %c0_i32_0 = arith.constant 0 : i32
    %c0_i32_1 = arith.constant 0 : i32
    return %c0_i32, %c0_i32_0 : i32, i32
  }
  func.func @transform_7(%arg0: i32) -> (i32, i32) {
    %c0_i32 = arith.constant 0 : i32
    %c0_i32_0 = arith.constant 0 : i32
    %c0_i32_1 = arith.constant 0 : i32
    return %c0_i32, %c0_i32_0 : i32, i32
  }
  func.func @transform_8(%arg0: i32) -> (i32, i32) {
    %c0_i32 = arith.constant 0 : i32
    %c0_i32_0 = arith.constant 0 : i32
    return %arg0, %c0_i32 : i32, i32
  }
}

</mosaic_0001>

<sc_bundles>
// kernel: kernel.11.cloned.1.call-start
scs
__scs_entry_jumppad:
0x0: {  	(pc) =	sbr.rel $0x88, $3  }
0x1: {  	(tag) =	ssettag $0x0;
	lr =	simm.s32 $0x1  }
0x2: {  	[smem:$0x3F97] =	sst lr;
	_ =	strace $0xD0000000  }
0x3: {  	_ = 	snop  }
0x4: {  	_ = 	snop  }
0x5: {  	_ = 	snop  }
0x6: {  	_ = 	snop  }
0x7: {  	_ = 	snop  }
__scs_overlays_trampoline_lowered:
0x8: {  	[smem:$0x3FA6] =	sst s0  }
0x9: {  	[smem:$0x3FA7] =	sst s1  }
0xa: {  	[smem:$0x3FA8] =	sst s2  }
0xb: {  	[smem:$0x3FA9] =	sst s3  }
0xc: {  	[smem:$0x3FAA] =	sst s4  }
0xd: {  	[smem:$0x3FAB] =	sst s5  }
0xe: {  	[smem:$0x3FAC] =	sst s6  }
0xf: {  	[smem:$0x3FAD] =	sst s7  }
0x10: {  	[smem:$0x3FAE] =	sst s8  }
0x11: {  	[smem:$0x3FAF] =	sst s9;
	s0 =	simm.s32 @!p0 $0x0  }
0x12: {  	s1 =	sld [smem:$0x3F95];
	s0 =	simm.s32 @p0 $0x1  }
0x13: {  	[smem:$0x3FB0] =	sst s0;
	s0 =	simm.s32 @!p1 $0x0  }
0x14: {  	s2 =	sld [smem:$0x3F94];
	s0 =	simm.s32 @p1 $0x1  }
0x15: {  	[smem:$0x3FB1] =	sst s0;
	s0 =	simm.s32 @!p2 $0x0  }
0x16: {  	s3 =	sld [smem:$0x3FDB];
	s0 =	simm.s32 @p2 $0x1  }
0x17: {  	s4 =	simm.s32 $0x1BF5;
	[smem:$0x3FB3] =	sst s0  }
0x18: {  	s0 =	sld [smem:$0x3F96];
	_ =	swait.ge [sflag:s4], $0x0  }
0x19: {  	s7 =	sld [smem:$0x3F97]  }
0x1a: {  	s8 =	sadd.s32 $0xFFFFE003, lr  }
0x1b: {  	s9 =	sadd.s32 $0xFFFFFEF7, lr;
	s5 =	simm.s32 $0xFFFFFFFF;
	p2 =	slt.u32 s8, $0xFFFFF086  }
0x1c: {  	p1 =	slt.u32 s9, $0xF7A;
	s5 =	simm.s32 @!p2 $0x0  }
0x1d: {  	s5 =	simm.s32 @p1 $0x1;
	p0 =	seq.s32 s7, s2  }
0x1e: {  	s7 =	smul.u32 @!p0 $0xF7A, s2;
	p2 =	seq.s32 @!p0 s5, $0x0  }
0x1f: {  	s9 =	smul.u32 $0xF7A, s1;
	s8 =	simm.s32 @!p0 $0x1BF5;
	p2 =	por !p2, p0  }
0x20: {  	[sflag:s8] =	ssyncset.s32 @!p0 $0xFFFFF086;
	s6 =	sadd.s32 @!p0 s3, s7;
	s7 =	simm.s32 @!p0 $0x108  }
0x21: {  	s3 =	sadd.s32 s3, s9;
	s6 =	sadd.s32 @!p0 $0x88, s6;
	s7 =	simm.s32 @p2 $0x1082  }
0x22: {  	[simem:s7], [sflag:s8] =	dma.local @!p0 [hbm:s6], $0xF7A  }
0x23: {  	s9 =	sor.u32 $0xD0000000, s2;
	s6 =	simm.s32 $0x108;
	_ =	swait.ge @!p0 [sflag:s8], $0x0  }
0x24: {  	s3 =	sadd.s32 $0x88, s3;
	s6 =	simm.s32 @!p1 $0x1082;
	[sflag:s4] =	ssyncset.s32 $0xFFFFF086  }
0x25: {  	[simem:s6], [sflag:s4] =	dma.local [hbm:s3], $0xF7A  }
0x26: {  	[smem:$0x3F97] =	sst s1;
	(tag) =	ssettag s2;
	_ =	strace s9  }
0x27: {  	s1 =	sld [smem:$0x3FA7]  }
0x28: {  	s2 =	sld [smem:$0x3FA8]  }
0x29: {  	s4 =	sld [smem:$0x3FAA]  }
0x2a: {  	p0 =	seq.s32 s5, $0x0;
	s5 =	sld [smem:$0x3FAB]  }
0x2b: {  	s6 =	sld [smem:$0x3FAC]  }
0x2c: {  	s7 =	sld [smem:$0x3FAD]  }
0x2d: {  	s3 =	simm.s32 $0x108;
	s8 =	sld [smem:$0x3FAE]  }
0x2e: {  	s3 =	simm.s32 @!p0 $0x1082;
	s9 =	sld [smem:$0x3FAF]  }
0x2f: {  	lr =	sadd.s32 s0, s3;
	s0 =	sld [smem:$0x3FA6]  }
0x30: {  	s3 =	sld [smem:$0x3FA9]  }
0x31: {  	[smem:$0x3FB2] =	sst s10  }
0x32: {  	s10 =	sld [smem:$0x3FB0];
	_ =	sdelay $0x3  }
0x33: {  	p0 =	seq.s32 s10, $0x1;
	s10 =	sld [smem:$0x3FB2];
	_ =	sdelay $0x3  }
0x34: {  	[smem:$0x3FB2] =	sst s10  }
0x35: {  	s10 =	sld [smem:$0x3FB1];
	_ =	sdelay $0x3  }
0x36: {  	p1 =	seq.s32 s10, $0x1;
	s10 =	sld [smem:$0x3FB2];
	_ =	sdelay $0x3  }
0x37: {  	[smem:$0x3FB2] =	sst s10  }
0x38: {  	s10 =	sld [smem:$0x3FB3]  }
0x39: {  	_ = 	snop;
	(pc) =	sbr.ind lr, $3  }
0x3a: {  	_ = 	snop  }
0x3b: {  	_ = 	snop  }
0x3c: {  	p2 =	seq.s32 s10, $0x1;
	s10 =	sld [smem:$0x3FB2]  }
0x3d: {  	_ =	shalt  }
0x3e: {  	_ =	shalt  }
0x3f: {  	_ =	shalt  }
0x40: {  	_ =	shalt  }
0x41: {  	_ =	shalt  }
0x42: {  	_ =	shalt  }
0x43: {  	_ =	shalt  }
0x44: {  	_ =	shalt  }
0x45: {  	_ =	shalt  }
0x46: {  	_ =	shalt  }
0x47: {  	_ =	shalt  }
0x48: {  	_ =	shalt  }
0x49: {  	_ =	shalt  }
0x4a: {  	_ =	shalt  }
0x4b: {  	_ =	shalt  }
0x4c: {  	_ =	shalt  }
0x4d: {  	_ =	shalt  }
0x4e: {  	_ =	shalt  }
0x4f: {  	_ =	shalt  }
0x50: {  	_ =	shalt  }
0x51: {  	_ =	shalt  }
0x52: {  	_ =	shalt  }
0x53: {  	_ =	shalt  }
0x54: {  	_ =	shalt  }
0x55: {  	_ =	shalt  }
0x56: {  	_ =	shalt  }
0x57: {  	_ =	shalt  }
0x58: {  	_ =	shalt  }
0x59: {  	_ =	shalt  }
0x5a: {  	_ =	shalt  }
0x5b: {  	_ =	shalt  }
0x5c: {  	_ =	shalt  }
0x5d: {  	_ =	shalt  }
0x5e: {  	_ =	shalt  }
0x5f: {  	_ =	shalt  }
0x60: {  	_ =	shalt  }
0x61: {  	_ =	shalt  }
0x62: {  	_ =	shalt  }
0x63: {  	_ =	shalt  }
0x64: {  	_ =	shalt  }
0x65: {  	_ =	shalt  }
0x66: {  	_ =	shalt  }
0x67: {  	_ =	shalt  }
0x68: {  	_ =	shalt  }
0x69: {  	_ =	shalt  }
0x6a: {  	_ =	shalt  }
0x6b: {  	_ =	shalt  }
0x6c: {  	_ =	shalt  }
0x6d: {  	_ =	shalt  }
0x6e: {  	_ =	shalt  }
0x6f: {  	_ =	shalt  }
0x70: {  	_ =	shalt  }
0x71: {  	_ =	shalt  }
0x72: {  	_ =	shalt  }
0x73: {  	_ =	shalt  }
0x74: {  	_ =	shalt  }
0x75: {  	_ =	shalt  }
0x76: {  	_ =	shalt  }
0x77: {  	_ =	shalt  }
0x78: {  	_ =	shalt  }
0x79: {  	_ =	shalt  }
0x7a: {  	_ =	shalt  }
0x7b: {  	_ =	shalt  }
0x7c: {  	_ =	shalt  }
0x7d: {  	_ =	shalt  }
0x7e: {  	_ =	shalt  }
0x7f: {  	_ =	shalt  }
0x80: {  	_ =	shalt  }
0x81: {  	_ =	shalt  }
0x82: {  	_ =	shalt  }
0x83: {  	_ =	shalt  }
0x84: {  	_ =	shalt  }
0x85: {  	_ =	shalt  }
0x86: {  	_ =	shalt  }
0x87: {  	_ =	shalt  }
.Lfunc_end0:
.L_simem_size_0:
called_computation.1_lowered:
.L_overlay_start_0:
0x88: {  	s2 =	sld [smem:$0x3FD9]  }
0x89: {  	s3 =	sld [smem:$0x3FFE];
	_ =	sdelay $0x1  }
0x8a: {  	s1 =	srdreg.scid  }
0x8b: {  	s0 =	sand.u32 $0x1, s1  }
0x8c: {  	s17 =	sshll.u32 s0, $0xA;
	s2 =	sadd.s32 s3, s2  }
0x8d: {  	s2 =	sadd.s32 s2, s17  }
0x8e: {  	[smem:$0x3FBE] =	sst s2  }
0x8f: {  	_ = 	snop  }
0x90: {  	s2 =	sld [smem:$0x3FD0];
	(tm) =	ssettm $0x1  }
0x91: {  	s18 =	sld [smem:$0x3FFB];
	_ =	sdelay $0x3  }
0x92: {  	_ =	strace s18  }
0x93: {  	s3 =	sld [smem:$0x3FFC];
	_ =	sdelay $0x3  }
0x94: {  	_ =	strace s3  }
0x95: {  	s3 =	sld [smem:$0x3FFD];
	_ =	sdelay $0x3  }
0x96: {  	_ =	strace s3  }
0x97: {  	_ =	strace $0x8FFFFFFF  }
0x98: {  	s19 =	sld [smem:$0x3FDB];
	_ =	sdelay $0x1  }
0x99: {  	s4 =	simm.s32 $_scs_section_size  }
0x9a: {  	s5 =	simm.s32 $_size__tile_overlayer_lowered;
	s6 =	simm.s32 $_tile_overlayer_lowered  }
0x9b: {  	s22 =	simm.s32 $0x1BFF;
	s21 =	sshll.u32 s6, $0x1;
	s3 =	sadd.s32 s4, s19  }
0x9c: {  	s7 =	simm.s32 $0x0;
	s20 =	sshll.u32 s5, $0x1;
	s5 =	sadd.s32 s21, s3  }
0x9d: {  	[timem:s7], [sflag:s22] =	dma.local [hbm:s5], s20  }
0x9e: {  	_ =	swait.ge [sflag:s22], s20  }
0x9f: {  	s4 =	ssub.s32 $0x0, s20;
	[sflag:s22] =	ssyncset.done $0x0  }
0xa0: {  	[sflag:s22] =	ssyncadd.s32 s4;
	_ =	sdelay $0x1  }
0xa1: {  	s23 =	simm.s32 $0x1B8B  }
0xa2: {  	_ =	swait.ge [sflag:s23], $0x1  }
0xa3: {  	[sflag:s23] =	ssyncset.done $0x0  }
0xa4: {  	s25 =	simm.s32 $0x1B8E;
	s24 =	sld [smem:$0x3FFE];
	[sflag:s23] =	ssyncadd.s32 $0xFFFFFFFF  }
0xa5: {  	s26 =	simm.s32 $execute0_lowered;
	[smem:$0x3FD2] =	sst s25  }
0xa6: {  	s5 =	sshll.u32 s26, $0x1;
	_ =	strace $0x80000049;
	[dreg:$0x1] =	wrdreg $0xFFFFFFFF  }
0xa7: {  	s28 =	simm.s32 $_size_execute0_lowered;
	s3 =	sadd.s32 s3, s5;
	[dreg:$0x0] =	wrdreg $0x0  }
0xa8: {  	s5 =	sshll.u32 s28, $0x1;
	[dreg:$0x2] =	wrdreg s3  }
0xa9: {  	[dreg:$0x3] =	wrdreg s5  }
0xaa: {  	[dreg:$0x4] =	wrdreg $0xC0  }
0xab: {  	_ =	task [dreg:s7], $0x5FFFF  }
0xac: {  	[dreg:$0x1] =	wrdreg $0xFFFFFFFF  }
0xad: {  	[dreg:$0x0] =	wrdreg $0x60  }
0xae: {  	[dreg:$0x2] =	wrdreg s24  }
0xaf: {  	[dreg:$0x3] =	wrdreg s2  }
0xb0: {  	[dreg:$0x4] =	wrdreg $0x108000  }
0xb1: {  	[dreg:$0x5] =	wrdreg $0x9  }
0xb2: {  	_ =	task.clear_ibuf [dreg:s7], $0x6FFFF;
	_ =	strace $0x90000049  }
0xb3: {  	s29 =	simm.s32 $0x9;
	_ =	strace $0x8000004B  }
0xb4: {  	_ =	swait.ge [sflag:s29], $0x1  }
0xb5: {  	[sflag:s29] =	ssyncadd.s32 $0xFFFFFFFF  }
0xb6: {  	_ =	strace $0x9000004B  }
0xb7: {  	_ =	sfence  }
0xb8: {  	s30 =	sld [smem:$0x0];
	_ =	sdelay $0x2  }
0xb9: {  	s31 =	sshll.u32 s1, $0xD;
	s1 =	sshrl.u32 s1, $0x2  }
0xba: {  	s3 =	sand.u32 $0x4000, s31;
	s1 =	sadd.s32 s1, s30  }
0xbb: {  	s0 =	sor.u32 s3, s0;
	s1 =	sshll.u32 s1, $0x11  }
0xbc: {  	s0 =	sor.u32 s1, s0  }
0xbd: {  	s0 =	sadd.s32 $0x8F2B, s0  }
0xbe: {  	[sflag:s0] =	ssyncadd.remote.s32 $0x1  }
0xbf: {  	_ =	sfence.sel $0xFFFF  }
0xc0: {  	[dreg:$0x0] =	wrdreg $0xFFFFFFFF;
	(pc) =	sbr.abs _section_cstart, $3  }
0xc1: {  	[dreg:$0x1] =	wrdreg $0xFFFFFFFF  }
0xc2: {  	_ =	task.clear_ibuf [dreg:s7], $0x2FFFF;
	_ =	strace $0x9FFFFFFF  }
0xc3: {  	(tm) =	ssettm $0x7FFFFFFF  }
tec
execute0_lowered:
.L_overlay_start_1:
0x0: {  	(tag) =	ssettag $0x1  }
0x1: {  	s5 =	rddreg [dreg:$0x0]  }
0x2: {  	s0 =	srdreg.scid;
	s8 =	rddreg [dreg:$0x1]  }
0x3: {  	s2 =	rddreg [dreg:$0x2];
	s3 =	simm.s32 $0x0;
	s16 =	simm.s32 $0xC800  }
0x4: {  	s17 =	simm.s32 $0xE800;
	s18 =	simm.s32 $0x1;
	s19 =	simm.s32 $0x2  }
0x5: {  	s20 =	simm.s32 $0x0;
	s9 =	sand.u32 $0x1, s0;
	s0 =	stileid.u32  }
0x6: {  	[smem:$0x7FF] =	sst s3;
	s4 =	sadd.s32 $0x25200, s5;
	s6 =	smul.u32 $0x9E00, s0  }
0x7: {  	s1 =	sshll.u32 s9, $0x4;
	s7 =	smul.u32 $0x9E000, s9;
	s13 =	ssub.s32 $0x2, s9  }
0x8: {  	s31 =	sshll.u32 s0, $0x6;
	p0 =	seq.s32 s9, $0x0;
	s9 =	simm.s32 $0x63  }
0x9: {  	s1 =	sor.u32 s0, s1;
	s30 =	sshrl.u32 s13, $0x1;
	s9 =	simm.s32 @!p0 $0x3A  }
0xa: {  	s10 =	smul.u32 $0xC80, s1;
	s1 =	rddreg [dreg:$0x3];
	_ =	strace $0x8000004A  }
0xb: {  	s7 =	sadd.s32 s6, s7;
	s12 =	sshrl.u32 s6, $0x3;
	s13 =	ssub.s32 s13, s30  }
0xc: {  	s15 =	sadd.s32 s6, s2;
	s6 =	sor.u32 $0x1C03, s31;
	s7 =	sshrl.u32 s7, $0x3  }
0xd: {  	s12 =	sadd.s32 s12, s5;
	s11 =	sadd.s32 s10, s5;
	s14 =	sadd.s32 s7, s5  }
0xe: {  	s5 =	sadd.s32 $0x38C00, s12;
	s8 =	sadd.s32 s8, s10;
	s12 =	sshrl.u32 s15, $0x3  }
0xf: {  	s15 =	simm.s32 $0x80;
	s7 =	sadd.s32 $0xC200, s11;
	s10 =	sadd.s32 $0x4C800, s14  }
0x10: {  	s11 =	smax.u32 s13, $0x1;
	s13 =	simm.s32 $0x3;
	s14 =	simm.s32 $0x6400  }
.LBB2_1:
0x11: {  	[spmem:s12], [sflag:s6] =	dma.local [hbm:s5], $0x13C0  }
0x12: {  	_ =	swait.ge [sflag:s13], $0x13C0  }
0x13: {  	[sflag:s13] =	ssyncset.done $0x0  }
0x14: {  	[sflag:s13] =	ssyncadd.s32 $0xFFFFEC40  }
0x15: {  	[tilespmem:s3], [sflag:$0x3] =	stream.linear.gather [hbm4b:s7+s3], $0x6400, $0x38;
	[tilespmem:$0x1A600] =	vst v63  }
0x16: {  	_ =	swait.ge [sflag:s13], $0x6400  }
0x17: {  	[sflag:s13] =	ssyncset.done $0x0  }
0x18: {  	[sflag:s13] =	ssyncadd.s32 $0xFFFF9C00  }
0x19: {  	[tilespmem:s14], [sflag:$0x3] =	stream.linear.gather [hbm4b:s8+s3], $0x6400, $0x38;
	[tilespmem:$0x1A600] =	vst v63  }
0x1a: {  	_ =	swait.ge [sflag:s13], $0x6400  }
0x1b: {  	[sflag:s13] =	ssyncset.done $0x0  }
0x1c: {  	[sflag:s13] =	ssyncadd.s32 $0xFFFF9C00  }
0x1d: {  	[bflag:$0x0] =	sbarrier.arrive $0xFFFF  }
0x1e: {  	[tilespmem:s16], [sflag:$0x1] =	stream.indirect.gather [hbm4b:s4+s15], $0x40, s3, s15, $0xb8;
	[tilespmem:$0x1A600] =	vst v63  }
0x1f: {  	_ = 	snop  }
0x20: {  	[tilespmem:s17], [sflag:$0x2] =	stream.indirect.gather [hbm4b:s4+s15], $0x40, s15, s15, $0xb8;
	[tilespmem:$0x1A600] =	vst v63  }
0x21: {  	_ =	swait.ge [sflag:s18], $0x2000  }
0x22: {  	[sflag:s18] =	ssyncset.done $0x0  }
0x23: {  	s21 =	simm.s32 $0x6400;
	[sflag:s18] =	ssyncadd.s32 $0xFFFFE000  }
0x24: {  	[spmem:s2] =	stream.indirect.scatter.add.f32 [tilespmem:s16], [sflag:$0x3], $0x40, s21, s15, $0xb8;
	[tilespmem:$0x1A600] =	vst v63  }
0x25: {  	_ =	swait.ge [sflag:s13], $0x2000  }
0x26: {  	[sflag:s13] =	ssyncset.done $0x0  }
0x27: {  	s30 =	simm.s32 $0x100;
	[sflag:s13] =	ssyncadd.s32 $0xFFFFE000  }
0x28: {  	[tilespmem:s16], [sflag:$0x1] =	stream.indirect.gather [hbm4b:s4+s15], $0x40, s30, s15, $0xb8;
	[tilespmem:$0x1A600] =	vst v63  }
0x29: {  	_ =	swait.ge [sflag:s19], $0x2000  }
0x2a: {  	p0 =	sne.s32 s9, $0x1;
	[sflag:s19] =	ssyncset.done $0x0  }
.Ltmp0:
0x2b: {  	s31 =	simm.s32 $0x6480;
	[sflag:s19] =	ssyncadd.s32 $0xFFFFE000;
	(pc) =	sbr.rel @!p0 .LBB2_3-.Ltmp0, $4  }
0x2c: {  	[spmem:s2] =	stream.indirect.scatter.add.f32 [tilespmem:s17], [sflag:$0x3], $0x40, s31, s15, $0xb8;
	[tilespmem:$0x1A600] =	vst v63  }
0x2d: {  	_ =	swait.ge [sflag:s13], $0x2000  }
0x2e: {  	s22 =	simm.s32 $0x180;
	s23 =	simm.s32 $0x280;
	[sflag:s13] =	ssyncset.done $0x0  }
0x2f: {  	s24 =	simm.s32 $0x6580;
	s21 =	sadd.s32 $0xFFFFFFFF, s9;
	[sflag:s13] =	ssyncadd.s32 $0xFFFFE000  }
.LBB2_2:
0x30: {  	[tilespmem:s17], [sflag:$0x2] =	stream.indirect.gather [hbm4b:s4+s15], $0x40, s22, s15, $0xb8;
	[tilespmem:$0x1A600] =	vst v63  }
0x31: {  	p0 =	sne.s32 s21, $0x1;
	s21 =	sadd.s32 $0xFFFFFFFF, s21;
	_ =	swait.ge [sflag:s18], $0x2000  }
0x32: {  	s22 =	smov.u32 s23;
	[sflag:s18] =	ssyncset.done $0x0  }
0x33: {  	s25 =	sadd.s32 $0xFFFFFF80, s24;
	[sflag:s18] =	ssyncadd.s32 $0xFFFFE000  }
0x34: {  	[spmem:s2] =	stream.indirect.scatter.add.f32 [tilespmem:s16], [sflag:$0x3], $0x40, s25, s15, $0xb8;
	[tilespmem:$0x1A600] =	vst v63  }
0x35: {  	_ =	swait.ge [sflag:s13], $0x2000  }
0x36: {  	[sflag:s13] =	ssyncset.done $0x0  }
0x37: {  	s25 =	sadd.s32 $0xFFFFFF80, s23;
	[sflag:s13] =	ssyncadd.s32 $0xFFFFE000  }
0x38: {  	[tilespmem:s16], [sflag:$0x1] =	stream.indirect.gather [hbm4b:s4+s15], $0x40, s25, s15, $0xb8;
	[tilespmem:$0x1A600] =	vst v63  }
0x39: {  	_ =	swait.ge [sflag:s19], $0x2000  }
0x3a: {  	[sflag:s19] =	ssyncset.done $0x0  }
.Ltmp1:
0x3b: {  	[sflag:s19] =	ssyncadd.s32 $0xFFFFE000;
	(pc) =	sbr.rel @p0 .LBB2_2-.Ltmp1, $4  }
0x3c: {  	[spmem:s2] =	stream.indirect.scatter.add.f32 [tilespmem:s17], [sflag:$0x3], $0x40, s24, s15, $0xb8;
	[tilespmem:$0x1A600] =	vst v63  }
0x3d: {  	_ =	swait.ge [sflag:s13], $0x2000  }
0x3e: {  	[sflag:s13] =	ssyncset.done $0x0  }
0x3f: {  	s23 =	sadd.s32 $0x100, s23;
	s24 =	sadd.s32 $0x100, s24;
	[sflag:s13] =	ssyncadd.s32 $0xFFFFE000  }
.LBB2_3:
0x40: {  	[tilespmem:s17], [sflag:$0x2] =	stream.indirect.gather [hbm4b:s4+s15], $0x40, s22, s15, $0xb8;
	[tilespmem:$0x1A600] =	vst v63  }
0x41: {  	_ =	swait.ge [sflag:s18], $0x2000  }
0x42: {  	[sflag:s18] =	ssyncset.done $0x0  }
0x43: {  	[sflag:s18] =	ssyncadd.s32 $0xFFFFE000  }
0x44: {  	_ =	swait.ge [sflag:s19], $0x2000  }
0x45: {  	s20 =	sadd.s32 $0x1, s20;
	[sflag:s19] =	ssyncset.done $0x0  }
0x46: {  	p0 =	sne.s32 s20, s11;
	[sflag:s19] =	ssyncadd.s32 $0xFFFFE000  }
.Ltmp2:
0x47: {  	[bflag:$0x0] =	sbarrier.arrive $0xFFFF;
	(pc) =	sbr.rel @p0 .LBB2_1-.Ltmp2, $4  }
0x48: {  	[hbm:s10], [sflag:s6] =	dma.local [spmem:s12], $0x13C0  }
0x49: {  	_ =	swait.ge [sflag:s13], $0x13C0  }
0x4a: {  	[sflag:s13] =	ssyncset.done $0x0  }
0x4b: {  	[sflag:s13] =	ssyncadd.s32 $0xFFFFEC40  }
0x4c: {  	_ =	sfence.sel $0x180000  }
0x4d: {  	[bflag:$0x0] =	sbarrier.arrive $0xFFFF  }
0x4e: {  	p0 =	sne.s32 s0, $0x0;
	_ =	strace $0x9000004A  }
0x4f: {  	s0 =	sadd.s32 @!p0 $0x100000, s1;
	[bflag:$0x2] =	sbarrier.arrive $0xFFFF  }
0x50: {  	[sflag:s0] =	ssyncadd.tile.s32 @!p0 $0x1;
	_ =	shalt  }
.Lfunc_end2:
_tile_overlayer_lowered:
.L_overlay_start_2:
0x51: {  	(tag) =	ssettag $0x2  }
0x52: {  	s0 =	rddreg [dreg:$0x0];
	s2 =	stileid.u32  }
0x53: {  	s1 =	rddreg [dreg:$0x1];
	p0 =	sne.s32 s2, $0x0  }
0x54: {  	s3 =	rddreg [dreg:$0x2];
	[bflag:$0x3] =	sbarrier.arrive $0xFFFF;
	s2 =	simm.s32 @!p0 $0x1C03  }
0x55: {  	[timem:s3], [sflag:s2] =	dma.local @!p0 [hbm:s0], s1  }
0x56: {  	s0 =	simm.s32 @!p0 $0x3  }
0x57: {  	_ =	swait.ge @!p0 [sflag:s0], s1  }
0x58: {  	s1 =	ssub.s32 @!p0 $0x0, s1;
	[sflag:s0] =	ssyncset.done @!p0 $0x0  }
0x59: {  	[sflag:s0] =	ssyncadd.s32 @!p0 s1  }
0x5a: {  	[bflag:$0x3] =	sbarrier.arrive $0xFFFF  }
0x5b: {  	_ =	shalt  }

// kernel: kernel.14.cloned.1.call-start
scs
__scs_entry_jumppad:
0x0: {  	(pc) =	sbr.rel $0x88, $3  }
0x1: {  	(tag) =	ssettag $0x0;
	lr =	simm.s32 $0x1  }
0x2: {  	[smem:$0x3F97] =	sst lr;
	_ =	strace $0xD0000000  }
0x3: {  	_ = 	snop  }
0x4: {  	_ = 	snop  }
0x5: {  	_ = 	snop  }
0x6: {  	_ = 	snop  }
0x7: {  	_ = 	snop  }
__scs_overlays_trampoline_lowered:
0x8: {  	[smem:$0x3FA6] =	sst s0  }
0x9: {  	[smem:$0x3FA7] =	sst s1  }
0xa: {  	[smem:$0x3FA8] =	sst s2  }
0xb: {  	[smem:$0x3FA9] =	sst s3  }
0xc: {  	[smem:$0x3FAA] =	sst s4  }
0xd: {  	[smem:$0x3FAB] =	sst s5  }
0xe: {  	[smem:$0x3FAC] =	sst s6  }
0xf: {  	[smem:$0x3FAD] =	sst s7  }
0x10: {  	[smem:$0x3FAE] =	sst s8  }
0x11: {  	[smem:$0x3FAF] =	sst s9;
	s0 =	simm.s32 @!p0 $0x0  }
0x12: {  	s1 =	sld [smem:$0x3F95];
	s0 =	simm.s32 @p0 $0x1  }
0x13: {  	[smem:$0x3FB0] =	sst s0;
	s0 =	simm.s32 @!p1 $0x0  }
0x14: {  	s2 =	sld [smem:$0x3F94];
	s0 =	simm.s32 @p1 $0x1  }
0x15: {  	[smem:$0x3FB1] =	sst s0;
	s0 =	simm.s32 @!p2 $0x0  }
0x16: {  	s3 =	sld [smem:$0x3FDB];
	s0 =	simm.s32 @p2 $0x1  }
0x17: {  	s4 =	simm.s32 $0x1BF5;
	[smem:$0x3FB3] =	sst s0  }
0x18: {  	s0 =	sld [smem:$0x3F96];
	_ =	swait.ge [sflag:s4], $0x0  }
0x19: {  	s7 =	sld [smem:$0x3F97]  }
0x1a: {  	s8 =	sadd.s32 $0xFFFFE003, lr  }
0x1b: {  	s9 =	sadd.s32 $0xFFFFFEF7, lr;
	s5 =	simm.s32 $0xFFFFFFFF;
	p2 =	slt.u32 s8, $0xFFFFF086  }
0x1c: {  	p1 =	slt.u32 s9, $0xF7A;
	s5 =	simm.s32 @!p2 $0x0  }
0x1d: {  	s5 =	simm.s32 @p1 $0x1;
	p0 =	seq.s32 s7, s2  }
0x1e: {  	s7 =	smul.u32 @!p0 $0xF7A, s2;
	p2 =	seq.s32 @!p0 s5, $0x0  }
0x1f: {  	s9 =	smul.u32 $0xF7A, s1;
	s8 =	simm.s32 @!p0 $0x1BF5;
	p2 =	por !p2, p0  }
0x20: {  	[sflag:s8] =	ssyncset.s32 @!p0 $0xFFFFF086;
	s6 =	sadd.s32 @!p0 s3, s7;
	s7 =	simm.s32 @!p0 $0x108  }
0x21: {  	s3 =	sadd.s32 s3, s9;
	s6 =	sadd.s32 @!p0 $0x88, s6;
	s7 =	simm.s32 @p2 $0x1082  }
0x22: {  	[simem:s7], [sflag:s8] =	dma.local @!p0 [hbm:s6], $0xF7A  }
0x23: {  	s9 =	sor.u32 $0xD0000000, s2;
	s6 =	simm.s32 $0x108;
	_ =	swait.ge @!p0 [sflag:s8], $0x0  }
0x24: {  	s3 =	sadd.s32 $0x88, s3;
	s6 =	simm.s32 @!p1 $0x1082;
	[sflag:s4] =	ssyncset.s32 $0xFFFFF086  }
0x25: {  	[simem:s6], [sflag:s4] =	dma.local [hbm:s3], $0xF7A  }
0x26: {  	[smem:$0x3F97] =	sst s1;
	(tag) =	ssettag s2;
	_ =	strace s9  }
0x27: {  	s1 =	sld [smem:$0x3FA7]  }
0x28: {  	s2 =	sld [smem:$0x3FA8]  }
0x29: {  	s4 =	sld [smem:$0x3FAA]  }
0x2a: {  	p0 =	seq.s32 s5, $0x0;
	s5 =	sld [smem:$0x3FAB]  }
0x2b: {  	s6 =	sld [smem:$0x3FAC]  }
0x2c: {  	s7 =	sld [smem:$0x3FAD]  }
0x2d: {  	s3 =	simm.s32 $0x108;
	s8 =	sld [smem:$0x3FAE]  }
0x2e: {  	s3 =	simm.s32 @!p0 $0x1082;
	s9 =	sld [smem:$0x3FAF]  }
0x2f: {  	lr =	sadd.s32 s0, s3;
	s0 =	sld [smem:$0x3FA6]  }
0x30: {  	s3 =	sld [smem:$0x3FA9]  }
0x31: {  	[smem:$0x3FB2] =	sst s10  }
0x32: {  	s10 =	sld [smem:$0x3FB0];
	_ =	sdelay $0x3  }
0x33: {  	p0 =	seq.s32 s10, $0x1;
	s10 =	sld [smem:$0x3FB2];
	_ =	sdelay $0x3  }
0x34: {  	[smem:$0x3FB2] =	sst s10  }
0x35: {  	s10 =	sld [smem:$0x3FB1];
	_ =	sdelay $0x3  }
0x36: {  	p1 =	seq.s32 s10, $0x1;
	s10 =	sld [smem:$0x3FB2];
	_ =	sdelay $0x3  }
0x37: {  	[smem:$0x3FB2] =	sst s10  }
0x38: {  	s10 =	sld [smem:$0x3FB3]  }
0x39: {  	_ = 	snop;
	(pc) =	sbr.ind lr, $3  }
0x3a: {  	_ = 	snop  }
0x3b: {  	_ = 	snop  }
0x3c: {  	p2 =	seq.s32 s10, $0x1;
	s10 =	sld [smem:$0x3FB2]  }
0x3d: {  	_ =	shalt  }
0x3e: {  	_ =	shalt  }
0x3f: {  	_ =	shalt  }
0x40: {  	_ =	shalt  }
0x41: {  	_ =	shalt  }
0x42: {  	_ =	shalt  }
0x43: {  	_ =	shalt  }
0x44: {  	_ =	shalt  }
0x45: {  	_ =	shalt  }
0x46: {  	_ =	shalt  }
0x47: {  	_ =	shalt  }
0x48: {  	_ =	shalt  }
0x49: {  	_ =	shalt  }
0x4a: {  	_ =	shalt  }
0x4b: {  	_ =	shalt  }
0x4c: {  	_ =	shalt  }
0x4d: {  	_ =	shalt  }
0x4e: {  	_ =	shalt  }
0x4f: {  	_ =	shalt  }
0x50: {  	_ =	shalt  }
0x51: {  	_ =	shalt  }
0x52: {  	_ =	shalt  }
0x53: {  	_ =	shalt  }
0x54: {  	_ =	shalt  }
0x55: {  	_ =	shalt  }
0x56: {  	_ =	shalt  }
0x57: {  	_ =	shalt  }
0x58: {  	_ =	shalt  }
0x59: {  	_ =	shalt  }
0x5a: {  	_ =	shalt  }
0x5b: {  	_ =	shalt  }
0x5c: {  	_ =	shalt  }
0x5d: {  	_ =	shalt  }
0x5e: {  	_ =	shalt  }
0x5f: {  	_ =	shalt  }
0x60: {  	_ =	shalt  }
0x61: {  	_ =	shalt  }
0x62: {  	_ =	shalt  }
0x63: {  	_ =	shalt  }
0x64: {  	_ =	shalt  }
0x65: {  	_ =	shalt  }
0x66: {  	_ =	shalt  }
0x67: {  	_ =	shalt  }
0x68: {  	_ =	shalt  }
0x69: {  	_ =	shalt  }
0x6a: {  	_ =	shalt  }
0x6b: {  	_ =	shalt  }
0x6c: {  	_ =	shalt  }
0x6d: {  	_ =	shalt  }
0x6e: {  	_ =	shalt  }
0x6f: {  	_ =	shalt  }
0x70: {  	_ =	shalt  }
0x71: {  	_ =	shalt  }
0x72: {  	_ =	shalt  }
0x73: {  	_ =	shalt  }
0x74: {  	_ =	shalt  }
0x75: {  	_ =	shalt  }
0x76: {  	_ =	shalt  }
0x77: {  	_ =	shalt  }
0x78: {  	_ =	shalt  }
0x79: {  	_ =	shalt  }
0x7a: {  	_ =	shalt  }
0x7b: {  	_ =	shalt  }
0x7c: {  	_ =	shalt  }
0x7d: {  	_ =	shalt  }
0x7e: {  	_ =	shalt  }
0x7f: {  	_ =	shalt  }
0x80: {  	_ =	shalt  }
0x81: {  	_ =	shalt  }
0x82: {  	_ =	shalt  }
0x83: {  	_ =	shalt  }
0x84: {  	_ =	shalt  }
0x85: {  	_ =	shalt  }
0x86: {  	_ =	shalt  }
0x87: {  	_ =	shalt  }
.Lfunc_end0:
.L_simem_size_0:
called_computation.2_lowered:
.L_overlay_start_0:
0x88: {  	s2 =	sld [smem:$0x3FD9]  }
0x89: {  	s3 =	sld [smem:$0x3FFE];
	_ =	sdelay $0x1  }
0x8a: {  	s1 =	srdreg.scid  }
0x8b: {  	s0 =	sand.u32 $0x1, s1  }
0x8c: {  	s17 =	sshll.u32 s0, $0xA;
	s2 =	sadd.s32 s3, s2  }
0x8d: {  	s2 =	sadd.s32 s2, s17  }
0x8e: {  	[smem:$0x3FBE] =	sst s2  }
0x8f: {  	_ = 	snop  }
0x90: {  	s2 =	sld [smem:$0x3FD0];
	(tm) =	ssettm $0x1  }
0x91: {  	s18 =	sld [smem:$0x3FFB];
	_ =	sdelay $0x3  }
0x92: {  	_ =	strace s18  }
0x93: {  	s3 =	sld [smem:$0x3FFC];
	_ =	sdelay $0x3  }
0x94: {  	_ =	strace s3  }
0x95: {  	s3 =	sld [smem:$0x3FFD];
	_ =	sdelay $0x3  }
0x96: {  	_ =	strace s3  }
0x97: {  	_ =	strace $0x8FFFFFFF  }
0x98: {  	s19 =	sld [smem:$0x3FDB];
	_ =	sdelay $0x1  }
0x99: {  	s4 =	simm.s32 $_scs_section_size  }
0x9a: {  	s5 =	simm.s32 $_size__tile_overlayer_lowered;
	s6 =	simm.s32 $_tile_overlayer_lowered  }
0x9b: {  	s22 =	simm.s32 $0x1BFF;
	s21 =	sshll.u32 s6, $0x1;
	s3 =	sadd.s32 s4, s19  }
0x9c: {  	s7 =	simm.s32 $0x0;
	s20 =	sshll.u32 s5, $0x1;
	s5 =	sadd.s32 s21, s3  }
0x9d: {  	[timem:s7], [sflag:s22] =	dma.local [hbm:s5], s20  }
0x9e: {  	_ =	swait.ge [sflag:s22], s20  }
0x9f: {  	s4 =	ssub.s32 $0x0, s20;
	[sflag:s22] =	ssyncset.done $0x0  }
0xa0: {  	[sflag:s22] =	ssyncadd.s32 s4;
	_ =	sdelay $0x1  }
0xa1: {  	s23 =	simm.s32 $0x1B8B  }
0xa2: {  	_ =	swait.ge [sflag:s23], $0x1  }
0xa3: {  	[sflag:s23] =	ssyncset.done $0x0  }
0xa4: {  	s25 =	simm.s32 $0x1B8E;
	s24 =	sld [smem:$0x3FFE];
	[sflag:s23] =	ssyncadd.s32 $0xFFFFFFFF  }
0xa5: {  	s26 =	simm.s32 $execute0_lowered;
	[smem:$0x3FD2] =	sst s25  }
0xa6: {  	s5 =	sshll.u32 s26, $0x1;
	_ =	strace $0x8000004C;
	[dreg:$0x1] =	wrdreg $0xFFFFFFFF  }
0xa7: {  	s28 =	simm.s32 $_size_execute0_lowered;
	s3 =	sadd.s32 s3, s5;
	[dreg:$0x0] =	wrdreg $0x0  }
0xa8: {  	s5 =	sshll.u32 s28, $0x1;
	[dreg:$0x2] =	wrdreg s3  }
0xa9: {  	[dreg:$0x3] =	wrdreg s5  }
0xaa: {  	[dreg:$0x4] =	wrdreg $0xC0  }
0xab: {  	_ =	task [dreg:s7], $0x5FFFF  }
0xac: {  	[dreg:$0x1] =	wrdreg $0xFFFFFFFF  }
0xad: {  	[dreg:$0x0] =	wrdreg $0x60  }
0xae: {  	[dreg:$0x2] =	wrdreg s24  }
0xaf: {  	[dreg:$0x3] =	wrdreg s2  }
0xb0: {  	[dreg:$0x4] =	wrdreg $0xE8000  }
0xb1: {  	[dreg:$0x5] =	wrdreg $0x9  }
0xb2: {  	_ =	task.clear_ibuf [dreg:s7], $0x6FFFF;
	_ =	strace $0x9000004C  }
0xb3: {  	s29 =	simm.s32 $0x9;
	_ =	strace $0x8000004E  }
0xb4: {  	_ =	swait.ge [sflag:s29], $0x1  }
0xb5: {  	[sflag:s29] =	ssyncadd.s32 $0xFFFFFFFF  }
0xb6: {  	_ =	strace $0x9000004E  }
0xb7: {  	_ =	sfence  }
0xb8: {  	s30 =	sld [smem:$0x0];
	_ =	sdelay $0x2  }
0xb9: {  	s31 =	sshll.u32 s1, $0xD;
	s1 =	sshrl.u32 s1, $0x2  }
0xba: {  	s3 =	sand.u32 $0x4000, s31;
	s1 =	sadd.s32 s1, s30  }
0xbb: {  	s0 =	sor.u32 s3, s0;
	s1 =	sshll.u32 s1, $0x11  }
0xbc: {  	s0 =	sor.u32 s1, s0  }
0xbd: {  	s0 =	sadd.s32 $0x8F2B, s0  }
0xbe: {  	[sflag:s0] =	ssyncadd.remote.s32 $0x1  }
0xbf: {  	_ =	sfence.sel $0xFFFF  }
0xc0: {  	[dreg:$0x0] =	wrdreg $0xFFFFFFFF;
	(pc) =	sbr.abs _section_cstart, $3  }
0xc1: {  	[dreg:$0x1] =	wrdreg $0xFFFFFFFF  }
0xc2: {  	_ =	task.clear_ibuf [dreg:s7], $0x2FFFF;
	_ =	strace $0x9FFFFFFF  }
0xc3: {  	(tm) =	ssettm $0x7FFFFFFF  }
tec
execute0_lowered:
.L_overlay_start_1:
0x0: {  	(tag) =	ssettag $0x1  }
0x1: {  	s5 =	rddreg [dreg:$0x0]  }
0x2: {  	s0 =	srdreg.scid;
	s8 =	rddreg [dreg:$0x1]  }
0x3: {  	s2 =	rddreg [dreg:$0x2];
	s3 =	simm.s32 $0x0;
	s16 =	simm.s32 $0xC800  }
0x4: {  	s17 =	simm.s32 $0xD800;
	s18 =	simm.s32 $0x1;
	s19 =	simm.s32 $0x2  }
0x5: {  	s20 =	simm.s32 $0x0;
	s9 =	sand.u32 $0x1, s0;
	s0 =	stileid.u32  }
0x6: {  	[smem:$0x7FF] =	sst s3;
	s4 =	sadd.s32 $0x2400, s5;
	s6 =	smul.u32 $0x4F00, s0  }
0x7: {  	s1 =	sshll.u32 s9, $0x4;
	s7 =	smul.u32 $0x4F000, s9;
	s13 =	ssub.s32 $0x2, s9  }
0x8: {  	s31 =	sshll.u32 s0, $0x6;
	p0 =	seq.s32 s9, $0x0;
	s9 =	simm.s32 $0x63  }
0x9: {  	s1 =	sor.u32 s0, s1;
	s30 =	sshrl.u32 s13, $0x1;
	s9 =	simm.s32 @!p0 $0x3A  }
0xa: {  	s10 =	smul.u32 $0xC80, s1;
	s1 =	rddreg [dreg:$0x3];
	_ =	strace $0x8000004D  }
0xb: {  	s7 =	sadd.s32 s6, s7;
	s12 =	sshrl.u32 s6, $0x3;
	s13 =	ssub.s32 s13, s30  }
0xc: {  	s15 =	sadd.s32 s6, s2;
	s6 =	sor.u32 $0x1C03, s31;
	s7 =	sshrl.u32 s7, $0x3  }
0xd: {  	s12 =	sadd.s32 s12, s5;
	s11 =	sadd.s32 s10, s5;
	s14 =	sadd.s32 s7, s5  }
0xe: {  	s5 =	sadd.s32 $0x25200, s12;
	s8 =	sadd.s32 s8, s10;
	s12 =	sshrl.u32 s15, $0x3  }
0xf: {  	s15 =	simm.s32 $0x80;
	s7 =	sadd.s32 $0xC200, s11;
	s10 =	sadd.s32 $0x2F000, s14  }
0x10: {  	s11 =	smax.u32 s13, $0x1;
	s13 =	simm.s32 $0x3;
	s14 =	simm.s32 $0x6400  }
.LBB2_1:
0x11: {  	[spmem:s12], [sflag:s6] =	dma.local [hbm:s5], $0x9E0  }
0x12: {  	_ =	swait.ge [sflag:s13], $0x9E0  }
0x13: {  	[sflag:s13] =	ssyncset.done $0x0  }
0x14: {  	[sflag:s13] =	ssyncadd.s32 $0xFFFFF620  }
0x15: {  	[tilespmem:s3], [sflag:$0x3] =	stream.linear.gather [hbm4b:s7+s3], $0x6400, $0x38;
	[tilespmem:$0x13700] =	vst v63  }
0x16: {  	_ =	swait.ge [sflag:s13], $0x6400  }
0x17: {  	[sflag:s13] =	ssyncset.done $0x0  }
0x18: {  	[sflag:s13] =	ssyncadd.s32 $0xFFFF9C00  }
0x19: {  	[tilespmem:s14], [sflag:$0x3] =	stream.linear.gather [hbm4b:s8+s3], $0x6400, $0x38;
	[tilespmem:$0x13700] =	vst v63  }
0x1a: {  	_ =	swait.ge [sflag:s13], $0x6400  }
0x1b: {  	[sflag:s13] =	ssyncset.done $0x0  }
0x1c: {  	[sflag:s13] =	ssyncadd.s32 $0xFFFF9C00  }
0x1d: {  	[bflag:$0x0] =	sbarrier.arrive $0xFFFF  }
0x1e: {  	[tilespmem:s16], [sflag:$0x1] =	stream.indirect.gather [hbm4b:s4+s15], $0x20, s3, s15, $0xb8;
	[tilespmem:$0x13700] =	vst v63  }
0x1f: {  	_ = 	snop  }
0x20: {  	[tilespmem:s17], [sflag:$0x2] =	stream.indirect.gather [hbm4b:s4+s15], $0x20, s15, s15, $0xb8;
	[tilespmem:$0x13700] =	vst v63  }
0x21: {  	_ =	swait.ge [sflag:s18], $0x1000  }
0x22: {  	[sflag:s18] =	ssyncset.done $0x0  }
0x23: {  	s21 =	simm.s32 $0x6400;
	[sflag:s18] =	ssyncadd.s32 $0xFFFFF000  }
0x24: {  	[spmem:s2] =	stream.indirect.scatter.add.f32 [tilespmem:s16], [sflag:$0x3], $0x20, s21, s15, $0xb8;
	[tilespmem:$0x13700] =	vst v63  }
0x25: {  	_ =	swait.ge [sflag:s13], $0x1000  }
0x26: {  	[sflag:s13] =	ssyncset.done $0x0  }
0x27: {  	s30 =	simm.s32 $0x100;
	[sflag:s13] =	ssyncadd.s32 $0xFFFFF000  }
0x28: {  	[tilespmem:s16], [sflag:$0x1] =	stream.indirect.gather [hbm4b:s4+s15], $0x20, s30, s15, $0xb8;
	[tilespmem:$0x13700] =	vst v63  }
0x29: {  	_ =	swait.ge [sflag:s19], $0x1000  }
0x2a: {  	p0 =	sne.s32 s9, $0x1;
	[sflag:s19] =	ssyncset.done $0x0  }
.Ltmp0:
0x2b: {  	s31 =	simm.s32 $0x6480;
	[sflag:s19] =	ssyncadd.s32 $0xFFFFF000;
	(pc) =	sbr.rel @!p0 .LBB2_3-.Ltmp0, $4  }
0x2c: {  	[spmem:s2] =	stream.indirect.scatter.add.f32 [tilespmem:s17], [sflag:$0x3], $0x20, s31, s15, $0xb8;
	[tilespmem:$0x13700] =	vst v63  }
0x2d: {  	_ =	swait.ge [sflag:s13], $0x1000  }
0x2e: {  	s22 =	simm.s32 $0x180;
	s23 =	simm.s32 $0x280;
	[sflag:s13] =	ssyncset.done $0x0  }
0x2f: {  	s24 =	simm.s32 $0x6580;
	s21 =	sadd.s32 $0xFFFFFFFF, s9;
	[sflag:s13] =	ssyncadd.s32 $0xFFFFF000  }
.LBB2_2:
0x30: {  	[tilespmem:s17], [sflag:$0x2] =	stream.indirect.gather [hbm4b:s4+s15], $0x20, s22, s15, $0xb8;
	[tilespmem:$0x13700] =	vst v63  }
0x31: {  	p0 =	sne.s32 s21, $0x1;
	s21 =	sadd.s32 $0xFFFFFFFF, s21;
	_ =	swait.ge [sflag:s18], $0x1000  }
0x32: {  	s22 =	smov.u32 s23;
	[sflag:s18] =	ssyncset.done $0x0  }
0x33: {  	s25 =	sadd.s32 $0xFFFFFF80, s24;
	[sflag:s18] =	ssyncadd.s32 $0xFFFFF000  }
0x34: {  	[spmem:s2] =	stream.indirect.scatter.add.f32 [tilespmem:s16], [sflag:$0x3], $0x20, s25, s15, $0xb8;
	[tilespmem:$0x13700] =	vst v63  }
0x35: {  	_ =	swait.ge [sflag:s13], $0x1000  }
0x36: {  	[sflag:s13] =	ssyncset.done $0x0  }
0x37: {  	s25 =	sadd.s32 $0xFFFFFF80, s23;
	[sflag:s13] =	ssyncadd.s32 $0xFFFFF000  }
0x38: {  	[tilespmem:s16], [sflag:$0x1] =	stream.indirect.gather [hbm4b:s4+s15], $0x20, s25, s15, $0xb8;
	[tilespmem:$0x13700] =	vst v63  }
0x39: {  	_ =	swait.ge [sflag:s19], $0x1000  }
0x3a: {  	[sflag:s19] =	ssyncset.done $0x0  }
.Ltmp1:
0x3b: {  	[sflag:s19] =	ssyncadd.s32 $0xFFFFF000;
	(pc) =	sbr.rel @p0 .LBB2_2-.Ltmp1, $4  }
0x3c: {  	[spmem:s2] =	stream.indirect.scatter.add.f32 [tilespmem:s17], [sflag:$0x3], $0x20, s24, s15, $0xb8;
	[tilespmem:$0x13700] =	vst v63  }
0x3d: {  	_ =	swait.ge [sflag:s13], $0x1000  }
0x3e: {  	[sflag:s13] =	ssyncset.done $0x0  }
0x3f: {  	s23 =	sadd.s32 $0x100, s23;
	s24 =	sadd.s32 $0x100, s24;
	[sflag:s13] =	ssyncadd.s32 $0xFFFFF000  }
.LBB2_3:
0x40: {  	[tilespmem:s17], [sflag:$0x2] =	stream.indirect.gather [hbm4b:s4+s15], $0x20, s22, s15, $0xb8;
	[tilespmem:$0x13700] =	vst v63  }
0x41: {  	_ =	swait.ge [sflag:s18], $0x1000  }
0x42: {  	[sflag:s18] =	ssyncset.done $0x0  }
0x43: {  	[sflag:s18] =	ssyncadd.s32 $0xFFFFF000  }
0x44: {  	_ =	swait.ge [sflag:s19], $0x1000  }
0x45: {  	s20 =	sadd.s32 $0x1, s20;
	[sflag:s19] =	ssyncset.done $0x0  }
0x46: {  	p0 =	sne.s32 s20, s11;
	[sflag:s19] =	ssyncadd.s32 $0xFFFFF000  }
.Ltmp2:
0x47: {  	[bflag:$0x0] =	sbarrier.arrive $0xFFFF;
	(pc) =	sbr.rel @p0 .LBB2_1-.Ltmp2, $4  }
0x48: {  	[hbm:s10], [sflag:s6] =	dma.local [spmem:s12], $0x9E0  }
0x49: {  	_ =	swait.ge [sflag:s13], $0x9E0  }
0x4a: {  	[sflag:s13] =	ssyncset.done $0x0  }
0x4b: {  	[sflag:s13] =	ssyncadd.s32 $0xFFFFF620  }
0x4c: {  	_ =	sfence.sel $0x180000  }
0x4d: {  	[bflag:$0x0] =	sbarrier.arrive $0xFFFF  }
0x4e: {  	p0 =	sne.s32 s0, $0x0;
	_ =	strace $0x9000004D  }
0x4f: {  	s0 =	sadd.s32 @!p0 $0x100000, s1;
	[bflag:$0x2] =	sbarrier.arrive $0xFFFF  }
0x50: {  	[sflag:s0] =	ssyncadd.tile.s32 @!p0 $0x1;
	_ =	shalt  }
.Lfunc_end2:
_tile_overlayer_lowered:
.L_overlay_start_2:
0x51: {  	(tag) =	ssettag $0x2  }
0x52: {  	s0 =	rddreg [dreg:$0x0];
	s2 =	stileid.u32  }
0x53: {  	s1 =	rddreg [dreg:$0x1];
	p0 =	sne.s32 s2, $0x0  }
0x54: {  	s3 =	rddreg [dreg:$0x2];
	[bflag:$0x3] =	sbarrier.arrive $0xFFFF;
	s2 =	simm.s32 @!p0 $0x1C03  }
0x55: {  	[timem:s3], [sflag:s2] =	dma.local @!p0 [hbm:s0], s1  }
0x56: {  	s0 =	simm.s32 @!p0 $0x3  }
0x57: {  	_ =	swait.ge @!p0 [sflag:s0], s1  }
0x58: {  	s1 =	ssub.s32 @!p0 $0x0, s1;
	[sflag:s0] =	ssyncset.done @!p0 $0x0  }
0x59: {  	[sflag:s0] =	ssyncadd.s32 @!p0 s1  }
0x5a: {  	[bflag:$0x3] =	sbarrier.arrive $0xFFFF  }
0x5b: {  	_ =	shalt  }

// kernel: kernel.8.cloned.1.call-start
scs
__scs_entry_jumppad:
0x0: {  	(pc) =	sbr.rel $0x88, $3  }
0x1: {  	(tag) =	ssettag $0x0;
	lr =	simm.s32 $0x1  }
0x2: {  	[smem:$0x3F97] =	sst lr;
	_ =	strace $0xD0000000  }
0x3: {  	_ = 	snop  }
0x4: {  	_ = 	snop  }
0x5: {  	_ = 	snop  }
0x6: {  	_ = 	snop  }
0x7: {  	_ = 	snop  }
__scs_overlays_trampoline_lowered:
0x8: {  	[smem:$0x3FA6] =	sst s0  }
0x9: {  	[smem:$0x3FA7] =	sst s1  }
0xa: {  	[smem:$0x3FA8] =	sst s2  }
0xb: {  	[smem:$0x3FA9] =	sst s3  }
0xc: {  	[smem:$0x3FAA] =	sst s4  }
0xd: {  	[smem:$0x3FAB] =	sst s5  }
0xe: {  	[smem:$0x3FAC] =	sst s6  }
0xf: {  	[smem:$0x3FAD] =	sst s7  }
0x10: {  	[smem:$0x3FAE] =	sst s8  }
0x11: {  	[smem:$0x3FAF] =	sst s9;
	s0 =	simm.s32 @!p0 $0x0  }
0x12: {  	s1 =	sld [smem:$0x3F95];
	s0 =	simm.s32 @p0 $0x1  }
0x13: {  	[smem:$0x3FB0] =	sst s0;
	s0 =	simm.s32 @!p1 $0x0  }
0x14: {  	s2 =	sld [smem:$0x3F94];
	s0 =	simm.s32 @p1 $0x1  }
0x15: {  	[smem:$0x3FB1] =	sst s0;
	s0 =	simm.s32 @!p2 $0x0  }
0x16: {  	s3 =	sld [smem:$0x3FDB];
	s0 =	simm.s32 @p2 $0x1  }
0x17: {  	s4 =	simm.s32 $0x1BF5;
	[smem:$0x3FB3] =	sst s0  }
0x18: {  	s0 =	sld [smem:$0x3F96];
	_ =	swait.ge [sflag:s4], $0x0  }
0x19: {  	s7 =	sld [smem:$0x3F97]  }
0x1a: {  	s8 =	sadd.s32 $0xFFFFE003, lr  }
0x1b: {  	s9 =	sadd.s32 $0xFFFFFEF7, lr;
	s5 =	simm.s32 $0xFFFFFFFF;
	p2 =	slt.u32 s8, $0xFFFFF086  }
0x1c: {  	p1 =	slt.u32 s9, $0xF7A;
	s5 =	simm.s32 @!p2 $0x0  }
0x1d: {  	s5 =	simm.s32 @p1 $0x1;
	p0 =	seq.s32 s7, s2  }
0x1e: {  	s7 =	smul.u32 @!p0 $0xF7A, s2;
	p2 =	seq.s32 @!p0 s5, $0x0  }
0x1f: {  	s9 =	smul.u32 $0xF7A, s1;
	s8 =	simm.s32 @!p0 $0x1BF5;
	p2 =	por !p2, p0  }
0x20: {  	[sflag:s8] =	ssyncset.s32 @!p0 $0xFFFFF086;
	s6 =	sadd.s32 @!p0 s3, s7;
	s7 =	simm.s32 @!p0 $0x108  }
0x21: {  	s3 =	sadd.s32 s3, s9;
	s6 =	sadd.s32 @!p0 $0x88, s6;
	s7 =	simm.s32 @p2 $0x1082  }
0x22: {  	[simem:s7], [sflag:s8] =	dma.local @!p0 [hbm:s6], $0xF7A  }
0x23: {  	s9 =	sor.u32 $0xD0000000, s2;
	s6 =	simm.s32 $0x108;
	_ =	swait.ge @!p0 [sflag:s8], $0x0  }
0x24: {  	s3 =	sadd.s32 $0x88, s3;
	s6 =	simm.s32 @!p1 $0x1082;
	[sflag:s4] =	ssyncset.s32 $0xFFFFF086  }
0x25: {  	[simem:s6], [sflag:s4] =	dma.local [hbm:s3], $0xF7A  }
0x26: {  	[smem:$0x3F97] =	sst s1;
	(tag) =	ssettag s2;
	_ =	strace s9  }
0x27: {  	s1 =	sld [smem:$0x3FA7]  }
0x28: {  	s2 =	sld [smem:$0x3FA8]  }
0x29: {  	s4 =	sld [smem:$0x3FAA]  }
0x2a: {  	p0 =	seq.s32 s5, $0x0;
	s5 =	sld [smem:$0x3FAB]  }
0x2b: {  	s6 =	sld [smem:$0x3FAC]  }
0x2c: {  	s7 =	sld [smem:$0x3FAD]  }
0x2d: {  	s3 =	simm.s32 $0x108;
	s8 =	sld [smem:$0x3FAE]  }
0x2e: {  	s3 =	simm.s32 @!p0 $0x1082;
	s9 =	sld [smem:$0x3FAF]  }
0x2f: {  	lr =	sadd.s32 s0, s3;
	s0 =	sld [smem:$0x3FA6]  }
0x30: {  	s3 =	sld [smem:$0x3FA9]  }
0x31: {  	[smem:$0x3FB2] =	sst s10  }
0x32: {  	s10 =	sld [smem:$0x3FB0];
	_ =	sdelay $0x3  }
0x33: {  	p0 =	seq.s32 s10, $0x1;
	s10 =	sld [smem:$0x3FB2];
	_ =	sdelay $0x3  }
0x34: {  	[smem:$0x3FB2] =	sst s10  }
0x35: {  	s10 =	sld [smem:$0x3FB1];
	_ =	sdelay $0x3  }
0x36: {  	p1 =	seq.s32 s10, $0x1;
	s10 =	sld [smem:$0x3FB2];
	_ =	sdelay $0x3  }
0x37: {  	[smem:$0x3FB2] =	sst s10  }
0x38: {  	s10 =	sld [smem:$0x3FB3]  }
0x39: {  	_ = 	snop;
	(pc) =	sbr.ind lr, $3  }
0x3a: {  	_ = 	snop  }
0x3b: {  	_ = 	snop  }
0x3c: {  	p2 =	seq.s32 s10, $0x1;
	s10 =	sld [smem:$0x3FB2]  }
0x3d: {  	_ =	shalt  }
0x3e: {  	_ =	shalt  }
0x3f: {  	_ =	shalt  }
0x40: {  	_ =	shalt  }
0x41: {  	_ =	shalt  }
0x42: {  	_ =	shalt  }
0x43: {  	_ =	shalt  }
0x44: {  	_ =	shalt  }
0x45: {  	_ =	shalt  }
0x46: {  	_ =	shalt  }
0x47: {  	_ =	shalt  }
0x48: {  	_ =	shalt  }
0x49: {  	_ =	shalt  }
0x4a: {  	_ =	shalt  }
0x4b: {  	_ =	shalt  }
0x4c: {  	_ =	shalt  }
0x4d: {  	_ =	shalt  }
0x4e: {  	_ =	shalt  }
0x4f: {  	_ =	shalt  }
0x50: {  	_ =	shalt  }
0x51: {  	_ =	shalt  }
0x52: {  	_ =	shalt  }
0x53: {  	_ =	shalt  }
0x54: {  	_ =	shalt  }
0x55: {  	_ =	shalt  }
0x56: {  	_ =	shalt  }
0x57: {  	_ =	shalt  }
0x58: {  	_ =	shalt  }
0x59: {  	_ =	shalt  }
0x5a: {  	_ =	shalt  }
0x5b: {  	_ =	shalt  }
0x5c: {  	_ =	shalt  }
0x5d: {  	_ =	shalt  }
0x5e: {  	_ =	shalt  }
0x5f: {  	_ =	shalt  }
0x60: {  	_ =	shalt  }
0x61: {  	_ =	shalt  }
0x62: {  	_ =	shalt  }
0x63: {  	_ =	shalt  }
0x64: {  	_ =	shalt  }
0x65: {  	_ =	shalt  }
0x66: {  	_ =	shalt  }
0x67: {  	_ =	shalt  }
0x68: {  	_ =	shalt  }
0x69: {  	_ =	shalt  }
0x6a: {  	_ =	shalt  }
0x6b: {  	_ =	shalt  }
0x6c: {  	_ =	shalt  }
0x6d: {  	_ =	shalt  }
0x6e: {  	_ =	shalt  }
0x6f: {  	_ =	shalt  }
0x70: {  	_ =	shalt  }
0x71: {  	_ =	shalt  }
0x72: {  	_ =	shalt  }
0x73: {  	_ =	shalt  }
0x74: {  	_ =	shalt  }
0x75: {  	_ =	shalt  }
0x76: {  	_ =	shalt  }
0x77: {  	_ =	shalt  }
0x78: {  	_ =	shalt  }
0x79: {  	_ =	shalt  }
0x7a: {  	_ =	shalt  }
0x7b: {  	_ =	shalt  }
0x7c: {  	_ =	shalt  }
0x7d: {  	_ =	shalt  }
0x7e: {  	_ =	shalt  }
0x7f: {  	_ =	shalt  }
0x80: {  	_ =	shalt  }
0x81: {  	_ =	shalt  }
0x82: {  	_ =	shalt  }
0x83: {  	_ =	shalt  }
0x84: {  	_ =	shalt  }
0x85: {  	_ =	shalt  }
0x86: {  	_ =	shalt  }
0x87: {  	_ =	shalt  }
.Lfunc_end0:
.L_simem_size_0:
called_computation_lowered:
.L_overlay_start_0:
0x88: {  	s2 =	sld [smem:$0x3FD9]  }
0x89: {  	s3 =	sld [smem:$0x3FFE];
	_ =	sdelay $0x1  }
0x8a: {  	s1 =	srdreg.scid  }
0x8b: {  	s0 =	sand.u32 $0x1, s1  }
0x8c: {  	s17 =	sshll.u32 s0, $0xA;
	s2 =	sadd.s32 s3, s2  }
0x8d: {  	s2 =	sadd.s32 s2, s17  }
0x8e: {  	[smem:$0x3FBE] =	sst s2  }
0x8f: {  	_ = 	snop  }
0x90: {  	s2 =	sld [smem:$0x3FD0];
	(tm) =	ssettm $0x1  }
0x91: {  	s18 =	sld [smem:$0x3FFB];
	_ =	sdelay $0x3  }
0x92: {  	_ =	strace s18  }
0x93: {  	s3 =	sld [smem:$0x3FFC];
	_ =	sdelay $0x3  }
0x94: {  	_ =	strace s3  }
0x95: {  	s3 =	sld [smem:$0x3FFD];
	_ =	sdelay $0x3  }
0x96: {  	_ =	strace s3  }
0x97: {  	_ =	strace $0x8FFFFFFF  }
0x98: {  	s19 =	sld [smem:$0x3FDB];
	_ =	sdelay $0x1  }
0x99: {  	s4 =	simm.s32 $_scs_section_size  }
0x9a: {  	s5 =	simm.s32 $_size__tile_overlayer_lowered;
	s6 =	simm.s32 $_tile_overlayer_lowered  }
0x9b: {  	s22 =	simm.s32 $0x1BFF;
	s21 =	sshll.u32 s6, $0x1;
	s3 =	sadd.s32 s4, s19  }
0x9c: {  	s7 =	simm.s32 $0x0;
	s20 =	sshll.u32 s5, $0x1;
	s5 =	sadd.s32 s21, s3  }
0x9d: {  	[timem:s7], [sflag:s22] =	dma.local [hbm:s5], s20  }
0x9e: {  	_ =	swait.ge [sflag:s22], s20  }
0x9f: {  	s4 =	ssub.s32 $0x0, s20;
	[sflag:s22] =	ssyncset.done $0x0  }
0xa0: {  	[sflag:s22] =	ssyncadd.s32 s4;
	_ =	sdelay $0x1  }
0xa1: {  	s23 =	simm.s32 $0x1B8B  }
0xa2: {  	_ =	swait.ge [sflag:s23], $0x1  }
0xa3: {  	[sflag:s23] =	ssyncset.done $0x0  }
0xa4: {  	s25 =	simm.s32 $0x1B8E;
	s24 =	sld [smem:$0x3FFE];
	[sflag:s23] =	ssyncadd.s32 $0xFFFFFFFF  }
0xa5: {  	s26 =	simm.s32 $execute0_lowered;
	[smem:$0x3FD2] =	sst s25  }
0xa6: {  	s5 =	sshll.u32 s26, $0x1;
	_ =	strace $0x80000046;
	[dreg:$0x1] =	wrdreg $0xFFFFFFFF  }
0xa7: {  	s28 =	simm.s32 $_size_execute0_lowered;
	s3 =	sadd.s32 s3, s5;
	[dreg:$0x0] =	wrdreg $0x0  }
0xa8: {  	s5 =	sshll.u32 s28, $0x1;
	[dreg:$0x2] =	wrdreg s3  }
0xa9: {  	[dreg:$0x3] =	wrdreg s5  }
0xaa: {  	[dreg:$0x4] =	wrdreg $0xC0  }
0xab: {  	_ =	task [dreg:s7], $0x5FFFF  }
0xac: {  	[dreg:$0x1] =	wrdreg $0xFFFFFFFF  }
0xad: {  	[dreg:$0x0] =	wrdreg $0x60  }
0xae: {  	[dreg:$0x2] =	wrdreg s2  }
0xaf: {  	[dreg:$0x3] =	wrdreg s24  }
0xb0: {  	[dreg:$0x4] =	wrdreg $0x9  }
0xb1: {  	_ =	task.clear_ibuf [dreg:s7], $0x5FFFF;
	_ =	strace $0x90000046  }
0xb2: {  	s29 =	simm.s32 $0x9;
	_ =	strace $0x80000048  }
0xb3: {  	_ =	swait.ge [sflag:s29], $0x1  }
0xb4: {  	[sflag:s29] =	ssyncadd.s32 $0xFFFFFFFF  }
0xb5: {  	_ =	strace $0x90000048  }
0xb6: {  	_ =	sfence  }
0xb7: {  	s30 =	sld [smem:$0x0];
	_ =	sdelay $0x2  }
0xb8: {  	s31 =	sshll.u32 s1, $0xD;
	s1 =	sshrl.u32 s1, $0x2  }
0xb9: {  	s3 =	sand.u32 $0x4000, s31;
	s1 =	sadd.s32 s1, s30  }
0xba: {  	s0 =	sor.u32 s3, s0;
	s1 =	sshll.u32 s1, $0x11  }
0xbb: {  	s0 =	sor.u32 s1, s0  }
0xbc: {  	s0 =	sadd.s32 $0x8F2B, s0  }
0xbd: {  	[sflag:s0] =	ssyncadd.remote.s32 $0x1  }
0xbe: {  	_ =	sfence.sel $0xFFFF  }
0xbf: {  	[dreg:$0x0] =	wrdreg $0xFFFFFFFF;
	(pc) =	sbr.abs _section_cstart, $3  }
0xc0: {  	[dreg:$0x1] =	wrdreg $0xFFFFFFFF  }
0xc1: {  	_ =	task.clear_ibuf [dreg:s7], $0x2FFFF;
	_ =	strace $0x9FFFFFFF  }
0xc2: {  	(tm) =	ssettm $0x7FFFFFFF  }
0xc3: {  	_ =	shalt  }
tec
execute0_lowered:
.L_overlay_start_1:
0x0: {  	(tag) =	ssettag $0x1  }
0x1: {  	s5 =	rddreg [dreg:$0x0]  }
0x2: {  	s0 =	srdreg.scid;
	s6 =	rddreg [dreg:$0x1]  }
0x3: {  	s2 =	simm.s32 $0x0;
	s9 =	simm.s32 $0x80;
	s3 =	sand.u32 $0x1, s0  }
0x4: {  	s10 =	simm.s32 $0x400;
	s0 =	stileid.u32;
	s1 =	sshll.u32 s3, $0x4  }
0x5: {  	s11 =	simm.s32 $0x0;
	[smem:$0x7FF] =	sst s2;
	s4 =	sor.u32 s0, s1  }
0x6: {  	s8 =	sshll.u32 s0, $0x7;
	s30 =	ssub.s32 $0x2, s3;
	s1 =	sshrl.u32 s4, $0x3  }
0x7: {  	p0 =	seq.s32 s3, $0x0;
	s3 =	simm.s32 $0x18C00;
	s7 =	smul.u32 $0x13C00, s1  }
0x8: {  	s8 =	sand.u32 $0x380, s8;
	s31 =	sshrl.u32 s30, $0x1;
	s4 =	smul.u32 $0xC80, s4  }
0x9: {  	s3 =	simm.s32 @!p0 $0xE800;
	s1 =	rddreg [dreg:$0x2];
	s7 =	sor.u32 s8, s7  }
0xa: {  	_ =	strace $0x80000047;
	s4 =	sadd.s32 s5, s4;
	s7 =	sshrl.u32 s7, $0x3  }
0xb: {  	s8 =	simm.s32 $0x6400;
	s6 =	sadd.s32 s7, s6;
	s7 =	ssub.s32 s30, s31  }
0xc: {  	v0 =	vimm.f32 $0.0e+00;
	v1 =	vimm.f32 $1.000000000e+00;
	s5 =	sadd.s32 $0x2400, s6;
	s6 =	smax.u32 s7, $0x1;
	s7 =	simm.s32 $0x1  }
.LBB2_1:
0xd: {  	[tilespmem:s2], [sflag:$0x1] =	stream.linear.gather [hbm4b:s4+s2], $0x6400, $0x38;
	[tilespmem:$0x8B80] =	vst v63  }
0xe: {  	_ =	swait.ge [sflag:s7], $0x6400  }
0xf: {  	[sflag:s7] =	ssyncset.done $0x0  }
0x10: {  	s12 =	simm.s32 $0x0;
	[sflag:s7] =	ssyncadd.s32 $0xFFFF9C00  }
.LBB2_2:
0x11: {  	p0 =	sne.s32 s12, $0x9DC0  }
.Ltmp0:
0x12: {  	_ = 	snop;
	(pc) =	sbr.rel @p0 .LBB2_2-.Ltmp0, $3  }
0x13: {  	_ =	sdelay $0x1  }
0x14: {  	s13 =	sshra.s32 s12, $0x2  }
0x15: {  	s12 =	sadd.s32 $0x40, s12;
	[tilespmem:s13+$0x6400] =	vst v0  }
0x16: {  	p0 =	sne.s32 s3, $0x40  }
.Ltmp1:
0x17: {  	s12 =	simm.s32 $0x0;
	(pc) =	sbr.rel @!p0 .LBB2_5-.Ltmp1, $4  }
0x18: {  	s13 =	sand.u32 $0xFFFFFE00, s12  }
0x19: {  	s14 =	sand.u32 $0x70, s12;
	s13 =	sshra.s32 s13, $0x2  }
0x1a: {  	s14 =	sor.u32 s14, s13  }
0x1b: {  	s13 =	simm.s32 $0x40;
	v2 =	vld [tilespmem:s14+$0x0]  }
.LBB2_4:
0x1c: {  	_ =	sdelay $0x1  }
0x1d: {  	s14 =	sand.u32 $0xFFFFFE00, s13;
	s13 =	sadd.s32 $0x40, s13  }
0x1e: {  	p0 =	sne.s32 s3, s13  }
.Ltmp2:
0x1f: {  	_ = 	snop;
	(pc) =	sbr.rel @p0 .LBB2_4-.Ltmp2, $4  }
0x20: {  	s12 =	sadd.s32 $0x10, s12  }
0x21: {  	s15 =	sand.u32 $0x70, s12;
	s14 =	sshra.s32 s14, $0x2  }
0x22: {  	s14 =	sor.u32 s15, s14;
	[tilespmem:v2+s8+$0x0] =	vst.idx.add.f32.msk $0xffff, v1  }
0x23: {  	v2 =	vld [tilespmem:s14+$0x0]  }
.LBB2_5:
0x24: {  	_ =	sdelay $0x5  }
0x25: {  	s11 =	sadd.s32 $0x1, s11  }
0x26: {  	p0 =	sne.s32 s11, s6  }
.Ltmp3:
0x27: {  	[tilespmem:v2+s8+$0x0] =	vst.idx.add.f32.msk $0xffff, v1;
	(pc) =	sbr.rel @p0 .LBB2_1-.Ltmp3, $4  }
0x28: {  	[hbm4b:s5+s9] =	stream.strided.scatter [tilespmem:s8], [sflag:$0x1], $0x2780, s10, s9, $0x38;
	[tilespmem:$0x8B80] =	vst v63  }
0x29: {  	_ =	swait.ge [sflag:s7], $0x2780  }
0x2a: {  	[sflag:s7] =	ssyncset.done $0x0  }
0x2b: {  	[sflag:s7] =	ssyncadd.s32 $0xFFFFD880  }
0x2c: {  	_ =	sfence.sel $0x180000  }
0x2d: {  	[bflag:$0x0] =	sbarrier.arrive $0xFFFF  }
0x2e: {  	p0 =	sne.s32 s0, $0x0;
	_ =	strace $0x90000047  }
0x2f: {  	s0 =	sadd.s32 @!p0 $0x100000, s1;
	[bflag:$0x2] =	sbarrier.arrive $0xFFFF  }
0x30: {  	[sflag:s0] =	ssyncadd.tile.s32 @!p0 $0x1;
	_ =	shalt  }
.Lfunc_end2:
_tile_overlayer_lowered:
.L_overlay_start_2:
0x31: {  	(tag) =	ssettag $0x2  }
0x32: {  	s0 =	rddreg [dreg:$0x0];
	s2 =	stileid.u32  }
0x33: {  	s1 =	rddreg [dreg:$0x1];
	p0 =	sne.s32 s2, $0x0  }
0x34: {  	s3 =	rddreg [dreg:$0x2];
	[bflag:$0x3] =	sbarrier.arrive $0xFFFF;
	s2 =	simm.s32 @!p0 $0x1C01  }
0x35: {  	[timem:s3], [sflag:s2] =	dma.local @!p0 [hbm:s0], s1  }
0x36: {  	s0 =	simm.s32 @!p0 $0x1  }
0x37: {  	_ =	swait.ge @!p0 [sflag:s0], s1  }
0x38: {  	s1 =	ssub.s32 @!p0 $0x0, s1;
	[sflag:s0] =	ssyncset.done @!p0 $0x0  }
0x39: {  	[sflag:s0] =	ssyncadd.s32 @!p0 s1  }
0x3a: {  	[bflag:$0x3] =	sbarrier.arrive $0xFFFF  }
0x3b: {  	_ =	shalt  }

</sc_bundles>
